<compile_context>
chip_gen: v7x
topology: tpu7x:2x2x1
jax: 0.10.2.dev20260603
libtpu: 0.0.44.dev20260713+nightly
codegen_flags: <defaults>
</compile_context>

<pallas_src>
import functools

import jax
import jax.numpy as jnp
from jax import lax
from jax.experimental import pallas as pl
from jax.experimental.pallas import tpu as pltpu
from jax.experimental.pallas import tpu_sc as plsc

NC = 2
NS = 16
NW = NC * NS

W = 112
NBUF = 2


def _sc_gather(table, idx):
    b_total = idx.shape[0]
    d = table.shape[1]
    assert b_total % NW == 0
    b_per_w = b_total // NW
    n_full = b_per_w // W
    tail = b_per_w - n_full * W
    assert n_full % NBUF == 1
    n_rounds = (n_full - 1) // NBUF
    assert tail % 8 == 0 and 0 < tail <= W

    mesh = plsc.VectorSubcoreMesh(core_axis_name="c", subcore_axis_name="s")

    @functools.partial(
        pl.kernel,
        mesh=mesh,
        out_type=jax.ShapeDtypeStruct((b_total, d), table.dtype),
        scratch_types=[
            pltpu.VMEM((b_per_w,), jnp.int32),
        ] + [pltpu.VMEM((W, d), table.dtype) for _ in range(NBUF)]
          + [pltpu.SemaphoreType.DMA for _ in range(2 * NBUF)],
    )
    def k(table_hbm, idx_hbm, out_hbm, idx_v, *bufs_and_sems):
        bufs = bufs_and_sems[:NBUF]
        gs = bufs_and_sems[NBUF:2 * NBUF]
        os = bufs_and_sems[2 * NBUF:]
        wid = lax.axis_index("s") * NC + lax.axis_index("c")
        base = wid * b_per_w
        pltpu.sync_copy(idx_hbm.at[pl.ds(base, b_per_w)], idx_v)

        def gather(win, b):
            return pltpu.make_async_copy(
                table_hbm.at[idx_v.at[pl.ds(win * W, W)]], bufs[b], gs[b])

        def drain(win, b):
            return pltpu.make_async_copy(
                bufs[b], out_hbm.at[pl.ds(base + win * W, W)], os[b])

        gather(0, 0).start()

        @pl.loop(0, n_rounds)
        def _(r):
            for b in range(NBUF):
                w = NBUF * r + b
                gather(w, b).wait()
                drain(w, b).start()

                @pl.when(w >= NBUF - 1)
                def _():
                    drain(0, (b + 1) % NBUF).wait()

                gather(w + 1, (b + 1) % NBUF).start()

        last = n_full - 1
        gather(last, 0).wait()
        drain(last, 0).start()
        drain(0, 1).wait()

        t_off = n_full * W
        tbuf = bufs[1].at[pl.ds(0, tail)]
        tgather = pltpu.make_async_copy(
            table_hbm.at[idx_v.at[pl.ds(t_off, tail)]], tbuf, gs[1])
        tgather.start()

        drain(0, 0).wait()
        tgather.wait()
        pltpu.sync_copy(tbuf, out_hbm.at[pl.ds(base + t_off, tail)])

    return k(table, idx)


def kernel(x, embed_weight):
    b, t = x.shape
    d = embed_weight.shape[1]
    flat = x.T.reshape(b * t).astype(jnp.int32)
    out = _sc_gather(embed_weight, flat)
    return out.reshape(t, b, d).transpose(1, 0, 2)

# --- scband reference (transcript-rebuilt; emitter-appended) ---
"""Pipeline reference for scband-text-token-embedding-68624987456050 (READ-ONLY COPY).

The authoritative reference and input builder live on the scoring server;
editing this copy changes nothing except your own understanding.
"""

import jax, jax.numpy as jnp
import numpy as np

VOCAB = 16384
SEQ_LEN = 256
D_MODEL = 512
BATCH = 1024
TOKENS = SEQ_LEN + 1  # 257, includes <bos>
NUM_EMB = VOCAB + SEQ_LEN  # 16640


def setup_inputs(seed: int = 0) -> dict:
    key = jax.random.key(seed)
    k_x, k_w = jax.random.split(key)
    x = jax.random.randint(k_x, (BATCH, TOKENS), 0, NUM_EMB, dtype=jnp.int64 if jax.config.jax_enable_x64 else jnp.int32)
    # nn.Embedding default init: N(0, 1)
    embed_weight = jax.random.normal(k_w, (NUM_EMB, D_MODEL), dtype=jnp.float32)
    return {"x": x, "embed_weight": embed_weight}


def reference(x, embed_weight):
    # TextTokenEmbedding.forward: self.embed(x) -> row gather from the table
    return jnp.take(embed_weight, x, axis=0)

if __name__ == "__main__":
    import jax
    _d = setup_inputs()
    print(jax.jit(kernel)(*tuple(_d.values())))

</pallas_src>

<mosaic_0001>
#map = affine_map<(d0, d1) -> (0, 0)>
#map1 = affine_map<(d0, d1) -> (0)>
module attributes {stable_mosaic.version = 14 : i64} {
  func.func @k(%arg0: i32, %arg1: i32, %arg2: memref<16640x512xf32, #tpu.memory_space<hbm>>, %arg3: memref<263168xi32, #tpu.memory_space<hbm>>, %arg4: memref<263168x512xf32, #tpu.memory_space<hbm>>, %arg5: memref<8224xi32, #tpu.memory_space<vmem>>, %arg6: memref<112x512xf32, #tpu.memory_space<vmem>>, %arg7: memref<112x512xf32, #tpu.memory_space<vmem>>, %arg8: memref<!tpu.dma_semaphore, #tpu.memory_space<semaphore_mem>>, %arg9: memref<!tpu.dma_semaphore, #tpu.memory_space<semaphore_mem>>, %arg10: memref<!tpu.dma_semaphore, #tpu.memory_space<semaphore_mem>>, %arg11: memref<!tpu.dma_semaphore, #tpu.memory_space<semaphore_mem>>) attributes {dimension_semantics = [#tpu.dimension_semantics<core_parallel>, #tpu.dimension_semantics<subcore_parallel>], iteration_bounds = array<i64: 2, 16>, scalar_prefetch = 0 : i64, scratch_operands = 7 : i64, tpu.core_type = #tpu.core_type<sc_vector_subcore>, window_params = [{transform_indices = #map}, {transform_indices = #map1}, {transform_indices = #map}]} {
    %mul3A = arith.constant 2 : i32
    %mul3A_0 = arith.muli %arg1, %mul3A : i32
    %add3A = arith.addi %mul3A_0, %arg0 : i32
    %mul3A_1 = arith.constant 8224 : i32
    %mul3A_2 = arith.muli %add3A, %mul3A_1 : i32
    "tpu.region"() ({
      %run_scoped3A = tpu.sem_alloc : memref<!tpu.dma_semaphore, #tpu.memory_space<semaphore_mem>>
      %dma_start3A_51 = tpu.memref_slice %arg3[%mul3A_2] : memref<263168xi32, #tpu.memory_space<hbm>> -> memref<8224xi32, #tpu.memory_space<hbm>>
      %dma_start3A_52 = tpu.memref_slice %arg3[%mul3A_2] : memref<263168xi32, #tpu.memory_space<hbm>> -> memref<8224xi32, #tpu.memory_space<hbm>>
      tpu.enqueue_dma source(%dma_start3A_52 : memref<8224xi32, #tpu.memory_space<hbm>>) target(%arg5 : memref<8224xi32, #tpu.memory_space<vmem>>) target_semaphore(%run_scoped3A : memref<!tpu.dma_semaphore, #tpu.memory_space<semaphore_mem>>)
      %dma_wait3A_53 = tpu.memref_slice %arg3[%mul3A_2] : memref<263168xi32, #tpu.memory_space<hbm>> -> memref<8224xi32, #tpu.memory_space<hbm>>
      %dma_wait3A_54 = tpu.memref_slice %arg3[%mul3A_2] : memref<263168xi32, #tpu.memory_space<hbm>> -> memref<8224xi32, #tpu.memory_space<hbm>>
      tpu.wait_dma2 semaphore(%run_scoped3A : memref<!tpu.dma_semaphore, #tpu.memory_space<semaphore_mem>>) src(%dma_wait3A_54 : memref<8224xi32, #tpu.memory_space<hbm>>) dst(%arg5 : memref<8224xi32, #tpu.memory_space<vmem>>)
      tpu.yield
    }) : () -> ()
    %dma_start3A = arith.constant 0 : i32
    %dma_start3A_3 = tpu.memref_slice %arg5[%dma_start3A] : memref<8224xi32, #tpu.memory_space<vmem>> -> memref<112xi32, #tpu.memory_space<vmem>>
    %dma_start3A_4 = arith.constant 0 : i32
    %dma_start3A_5 = arith.constant 0 : i32
    %dma_start3A_6 = tpu.memref_slice %arg2[%dma_start3A_4, %dma_start3A_5] : memref<16640x512xf32, #tpu.memory_space<hbm>> -> memref<16640x512xf32, #tpu.memory_space<hbm>>
    tpu.enqueue_indirect_dma source(%dma_start3A_6 : memref<16640x512xf32, #tpu.memory_space<hbm>>) target(%arg6 : memref<112x512xf32, #tpu.memory_space<vmem>>) offsets(%dma_start3A_3 : memref<112xi32, #tpu.memory_space<vmem>>) semaphore(%arg8 : memref<!tpu.dma_semaphore, #tpu.memory_space<semaphore_mem>>)
    %scan3A = arith.constant 0 : i32
    %scan3A_7 = arith.constant 36 : i32
    %scan3A_8 = arith.addi %scan3A, %scan3A_7 : i32
    %scan3A_9 = arith.constant 1 : i32
    scf.for %scan3A_51 = %scan3A to %scan3A_8 step %scan3A_9  : i32 {
      %mul3A_52 = arith.constant 1 : i32
      %mul3A_53 = arith.muli %scan3A_51, %mul3A_52 : i32
      %add3A_54 = arith.constant 0 : i32
      %add3A_55 = arith.addi %add3A_54, %mul3A_53 : i32
      %mul3A_56 = arith.constant 2 : i32
      %mul3A_57 = arith.muli %mul3A_56, %add3A_55 : i32
      %add3A_58 = arith.constant 0 : i32
      %add3A_59 = arith.addi %mul3A_57, %add3A_58 : i32
      %mul3A_60 = arith.constant 112 : i32
      %mul3A_61 = arith.muli %add3A_59, %mul3A_60 : i32
      %dma_wait3A_62 = tpu.memref_slice %arg5[%mul3A_61] : memref<8224xi32, #tpu.memory_space<vmem>> -> memref<112xi32, #tpu.memory_space<vmem>>
      %dma_wait3A_63 = arith.constant 0 : i32
      %dma_wait3A_64 = arith.constant 0 : i32
      %dma_wait3A_65 = tpu.memref_slice %arg2[%dma_wait3A_63, %dma_wait3A_64] : memref<16640x512xf32, #tpu.memory_space<hbm>> -> memref<16640x512xf32, #tpu.memory_space<hbm>>
      tpu.wait_indirect_dma semaphore(%arg8 : memref<!tpu.dma_semaphore, #tpu.memory_space<semaphore_mem>>) src(%dma_wait3A_65 : memref<16640x512xf32, #tpu.memory_space<hbm>>) dst(%arg6 : memref<112x512xf32, #tpu.memory_space<vmem>>)
      %mul3A_66 = arith.constant 112 : i32
      %mul3A_67 = arith.muli %add3A_59, %mul3A_66 : i32
      %add3A_68 = arith.addi %mul3A_2, %mul3A_67 : i32
      %dma_start3A_69 = arith.constant 0 : i32
      %dma_start3A_70 = tpu.memref_slice %arg4[%add3A_68, %dma_start3A_69] : memref<263168x512xf32, #tpu.memory_space<hbm>> -> memref<112x512xf32, #tpu.memory_space<hbm>>
      %dma_start3A_71 = arith.constant 0 : i32
      %dma_start3A_72 = tpu.memref_slice %arg4[%add3A_68, %dma_start3A_71] : memref<263168x512xf32, #tpu.memory_space<hbm>> -> memref<112x512xf32, #tpu.memory_space<hbm>>
      tpu.enqueue_dma source(%arg6 : memref<112x512xf32, #tpu.memory_space<vmem>>) target(%dma_start3A_72 : memref<112x512xf32, #tpu.memory_space<hbm>>) target_semaphore(%arg10 : memref<!tpu.dma_semaphore, #tpu.memory_space<semaphore_mem>>)
      %ge3A = arith.constant 1 : i32
      %ge3A_73 = arith.cmpi sge, %add3A_59, %ge3A : i32
      %convert_element_type3A = arith.extui %ge3A_73 : i1 to i32
      %cond3A = arith.constant 0 : i32
      %cond3A_74 = arith.cmpi ne, %convert_element_type3A, %cond3A : i32
      scf.if %cond3A_74 {
        %add3A_113 = arith.constant 0 : i32
        %add3A_114 = arith.addi %mul3A_2, %add3A_113 : i32
        %dma_wait3A_115 = arith.constant 0 : i32
        %dma_wait3A_116 = tpu.memref_slice %arg4[%add3A_114, %dma_wait3A_115] : memref<263168x512xf32, #tpu.memory_space<hbm>> -> memref<112x512xf32, #tpu.memory_space<hbm>>
        %dma_wait3A_117 = arith.constant 0 : i32
        %dma_wait3A_118 = tpu.memref_slice %arg4[%add3A_114, %dma_wait3A_117] : memref<263168x512xf32, #tpu.memory_space<hbm>> -> memref<112x512xf32, #tpu.memory_space<hbm>>
        tpu.wait_dma2 semaphore(%arg11 : memref<!tpu.dma_semaphore, #tpu.memory_space<semaphore_mem>>) src(%arg7 : memref<112x512xf32, #tpu.memory_space<vmem>>) dst(%dma_wait3A_118 : memref<112x512xf32, #tpu.memory_space<hbm>>)
      } else {
      }
      %add3A_75 = arith.constant 1 : i32
      %add3A_76 = arith.addi %add3A_59, %add3A_75 : i32
      %mul3A_77 = arith.constant 112 : i32
      %mul3A_78 = arith.muli %add3A_76, %mul3A_77 : i32
      %dma_start3A_79 = tpu.memref_slice %arg5[%mul3A_78] : memref<8224xi32, #tpu.memory_space<vmem>> -> memref<112xi32, #tpu.memory_space<vmem>>
      %dma_start3A_80 = arith.constant 0 : i32
      %dma_start3A_81 = arith.constant 0 : i32
      %dma_start3A_82 = tpu.memref_slice %arg2[%dma_start3A_80, %dma_start3A_81] : memref<16640x512xf32, #tpu.memory_space<hbm>> -> memref<16640x512xf32, #tpu.memory_space<hbm>>
      tpu.enqueue_indirect_dma source(%dma_start3A_82 : memref<16640x512xf32, #tpu.memory_space<hbm>>) target(%arg7 : memref<112x512xf32, #tpu.memory_space<vmem>>) offsets(%dma_start3A_79 : memref<112xi32, #tpu.memory_space<vmem>>) semaphore(%arg9 : memref<!tpu.dma_semaphore, #tpu.memory_space<semaphore_mem>>)
      %mul3A_83 = arith.constant 2 : i32
      %mul3A_84 = arith.muli %mul3A_83, %add3A_55 : i32
      %add3A_85 = arith.constant 1 : i32
      %add3A_86 = arith.addi %mul3A_84, %add3A_85 : i32
      %mul3A_87 = arith.constant 112 : i32
      %mul3A_88 = arith.muli %add3A_86, %mul3A_87 : i32
      %dma_wait3A_89 = tpu.memref_slice %arg5[%mul3A_88] : memref<8224xi32, #tpu.memory_space<vmem>> -> memref<112xi32, #tpu.memory_space<vmem>>
      %dma_wait3A_90 = arith.constant 0 : i32
      %dma_wait3A_91 = arith.constant 0 : i32
      %dma_wait3A_92 = tpu.memref_slice %arg2[%dma_wait3A_90, %dma_wait3A_91] : memref<16640x512xf32, #tpu.memory_space<hbm>> -> memref<16640x512xf32, #tpu.memory_space<hbm>>
      tpu.wait_indirect_dma semaphore(%arg9 : memref<!tpu.dma_semaphore, #tpu.memory_space<semaphore_mem>>) src(%dma_wait3A_92 : memref<16640x512xf32, #tpu.memory_space<hbm>>) dst(%arg7 : memref<112x512xf32, #tpu.memory_space<vmem>>)
      %mul3A_93 = arith.constant 112 : i32
      %mul3A_94 = arith.muli %add3A_86, %mul3A_93 : i32
      %add3A_95 = arith.addi %mul3A_2, %mul3A_94 : i32
      %dma_start3A_96 = arith.constant 0 : i32
      %dma_start3A_97 = tpu.memref_slice %arg4[%add3A_95, %dma_start3A_96] : memref<263168x512xf32, #tpu.memory_space<hbm>> -> memref<112x512xf32, #tpu.memory_space<hbm>>
      %dma_start3A_98 = arith.constant 0 : i32
      %dma_start3A_99 = tpu.memref_slice %arg4[%add3A_95, %dma_start3A_98] : memref<263168x512xf32, #tpu.memory_space<hbm>> -> memref<112x512xf32, #tpu.memory_space<hbm>>
      tpu.enqueue_dma source(%arg7 : memref<112x512xf32, #tpu.memory_space<vmem>>) target(%dma_start3A_99 : memref<112x512xf32, #tpu.memory_space<hbm>>) target_semaphore(%arg11 : memref<!tpu.dma_semaphore, #tpu.memory_space<semaphore_mem>>)
      %ge3A_100 = arith.constant 1 : i32
      %ge3A_101 = arith.cmpi sge, %add3A_86, %ge3A_100 : i32
      %convert_element_type3A_102 = arith.extui %ge3A_101 : i1 to i32
      %cond3A_103 = arith.constant 0 : i32
      %cond3A_104 = arith.cmpi ne, %convert_element_type3A_102, %cond3A_103 : i32
      scf.if %cond3A_104 {
        %add3A_113 = arith.constant 0 : i32
        %add3A_114 = arith.addi %mul3A_2, %add3A_113 : i32
        %dma_wait3A_115 = arith.constant 0 : i32
        %dma_wait3A_116 = tpu.memref_slice %arg4[%add3A_114, %dma_wait3A_115] : memref<263168x512xf32, #tpu.memory_space<hbm>> -> memref<112x512xf32, #tpu.memory_space<hbm>>
        %dma_wait3A_117 = arith.constant 0 : i32
        %dma_wait3A_118 = tpu.memref_slice %arg4[%add3A_114, %dma_wait3A_117] : memref<263168x512xf32, #tpu.memory_space<hbm>> -> memref<112x512xf32, #tpu.memory_space<hbm>>
        tpu.wait_dma2 semaphore(%arg10 : memref<!tpu.dma_semaphore, #tpu.memory_space<semaphore_mem>>) src(%arg6 : memref<112x512xf32, #tpu.memory_space<vmem>>) dst(%dma_wait3A_118 : memref<112x512xf32, #tpu.memory_space<hbm>>)
      } else {
      }
      %add3A_105 = arith.constant 1 : i32
      %add3A_106 = arith.addi %add3A_86, %add3A_105 : i32
      %mul3A_107 = arith.constant 112 : i32
      %mul3A_108 = arith.muli %add3A_106, %mul3A_107 : i32
      %dma_start3A_109 = tpu.memref_slice %arg5[%mul3A_108] : memref<8224xi32, #tpu.memory_space<vmem>> -> memref<112xi32, #tpu.memory_space<vmem>>
      %dma_start3A_110 = arith.constant 0 : i32
      %dma_start3A_111 = arith.constant 0 : i32
      %dma_start3A_112 = tpu.memref_slice %arg2[%dma_start3A_110, %dma_start3A_111] : memref<16640x512xf32, #tpu.memory_space<hbm>> -> memref<16640x512xf32, #tpu.memory_space<hbm>>
      tpu.enqueue_indirect_dma source(%dma_start3A_112 : memref<16640x512xf32, #tpu.memory_space<hbm>>) target(%arg6 : memref<112x512xf32, #tpu.memory_space<vmem>>) offsets(%dma_start3A_109 : memref<112xi32, #tpu.memory_space<vmem>>) semaphore(%arg8 : memref<!tpu.dma_semaphore, #tpu.memory_space<semaphore_mem>>)
    }
    %scan3A_10 = arith.constant 36 : i32
    %dma_wait3A = arith.constant 8064 : i32
    %dma_wait3A_11 = tpu.memref_slice %arg5[%dma_wait3A] : memref<8224xi32, #tpu.memory_space<vmem>> -> memref<112xi32, #tpu.memory_space<vmem>>
    %dma_wait3A_12 = arith.constant 0 : i32
    %dma_wait3A_13 = arith.constant 0 : i32
    %dma_wait3A_14 = tpu.memref_slice %arg2[%dma_wait3A_12, %dma_wait3A_13] : memref<16640x512xf32, #tpu.memory_space<hbm>> -> memref<16640x512xf32, #tpu.memory_space<hbm>>
    tpu.wait_indirect_dma semaphore(%arg8 : memref<!tpu.dma_semaphore, #tpu.memory_space<semaphore_mem>>) src(%dma_wait3A_14 : memref<16640x512xf32, #tpu.memory_space<hbm>>) dst(%arg6 : memref<112x512xf32, #tpu.memory_space<vmem>>)
    %add3A_15 = arith.constant 8064 : i32
    %add3A_16 = arith.addi %mul3A_2, %add3A_15 : i32
    %dma_start3A_17 = arith.constant 0 : i32
    %dma_start3A_18 = tpu.memref_slice %arg4[%add3A_16, %dma_start3A_17] : memref<263168x512xf32, #tpu.memory_space<hbm>> -> memref<112x512xf32, #tpu.memory_space<hbm>>
    %dma_start3A_19 = arith.constant 0 : i32
    %dma_start3A_20 = tpu.memref_slice %arg4[%add3A_16, %dma_start3A_19] : memref<263168x512xf32, #tpu.memory_space<hbm>> -> memref<112x512xf32, #tpu.memory_space<hbm>>
    tpu.enqueue_dma source(%arg6 : memref<112x512xf32, #tpu.memory_space<vmem>>) target(%dma_start3A_20 : memref<112x512xf32, #tpu.memory_space<hbm>>) target_semaphore(%arg10 : memref<!tpu.dma_semaphore, #tpu.memory_space<semaphore_mem>>)
    %add3A_21 = arith.constant 0 : i32
    %add3A_22 = arith.addi %mul3A_2, %add3A_21 : i32
    %dma_wait3A_23 = arith.constant 0 : i32
    %dma_wait3A_24 = tpu.memref_slice %arg4[%add3A_22, %dma_wait3A_23] : memref<263168x512xf32, #tpu.memory_space<hbm>> -> memref<112x512xf32, #tpu.memory_space<hbm>>
    %dma_wait3A_25 = arith.constant 0 : i32
    %dma_wait3A_26 = tpu.memref_slice %arg4[%add3A_22, %dma_wait3A_25] : memref<263168x512xf32, #tpu.memory_space<hbm>> -> memref<112x512xf32, #tpu.memory_space<hbm>>
    tpu.wait_dma2 semaphore(%arg11 : memref<!tpu.dma_semaphore, #tpu.memory_space<semaphore_mem>>) src(%arg7 : memref<112x512xf32, #tpu.memory_space<vmem>>) dst(%dma_wait3A_26 : memref<112x512xf32, #tpu.memory_space<hbm>>)
    %dma_start3A_27 = arith.constant 0 : i32
    %dma_start3A_28 = arith.constant 0 : i32
    %dma_start3A_29 = tpu.memref_slice %arg7[%dma_start3A_27, %dma_start3A_28] : memref<112x512xf32, #tpu.memory_space<vmem>> -> memref<48x512xf32, #tpu.memory_space<vmem>>
    %dma_start3A_30 = arith.constant 8176 : i32
    %dma_start3A_31 = tpu.memref_slice %arg5[%dma_start3A_30] : memref<8224xi32, #tpu.memory_space<vmem>> -> memref<48xi32, #tpu.memory_space<vmem>>
    %dma_start3A_32 = arith.constant 0 : i32
    %dma_start3A_33 = arith.constant 0 : i32
    %dma_start3A_34 = tpu.memref_slice %arg2[%dma_start3A_32, %dma_start3A_33] : memref<16640x512xf32, #tpu.memory_space<hbm>> -> memref<16640x512xf32, #tpu.memory_space<hbm>>
    tpu.enqueue_indirect_dma source(%dma_start3A_34 : memref<16640x512xf32, #tpu.memory_space<hbm>>) target(%dma_start3A_29 : memref<48x512xf32, #tpu.memory_space<vmem>>) offsets(%dma_start3A_31 : memref<48xi32, #tpu.memory_space<vmem>>) semaphore(%arg9 : memref<!tpu.dma_semaphore, #tpu.memory_space<semaphore_mem>>)
    %add3A_35 = arith.constant 0 : i32
    %add3A_36 = arith.addi %mul3A_2, %add3A_35 : i32
    %dma_wait3A_37 = arith.constant 0 : i32
    %dma_wait3A_38 = tpu.memref_slice %arg4[%add3A_36, %dma_wait3A_37] : memref<263168x512xf32, #tpu.memory_space<hbm>> -> memref<112x512xf32, #tpu.memory_space<hbm>>
    %dma_wait3A_39 = arith.constant 0 : i32
    %dma_wait3A_40 = tpu.memref_slice %arg4[%add3A_36, %dma_wait3A_39] : memref<263168x512xf32, #tpu.memory_space<hbm>> -> memref<112x512xf32, #tpu.memory_space<hbm>>
    tpu.wait_dma2 semaphore(%arg10 : memref<!tpu.dma_semaphore, #tpu.memory_space<semaphore_mem>>) src(%arg6 : memref<112x512xf32, #tpu.memory_space<vmem>>) dst(%dma_wait3A_40 : memref<112x512xf32, #tpu.memory_space<hbm>>)
    %dma_wait3A_41 = arith.constant 0 : i32
    %dma_wait3A_42 = arith.constant 0 : i32
    %dma_wait3A_43 = tpu.memref_slice %arg7[%dma_wait3A_41, %dma_wait3A_42] : memref<112x512xf32, #tpu.memory_space<vmem>> -> memref<48x512xf32, #tpu.memory_space<vmem>>
    %dma_wait3A_44 = arith.constant 8176 : i32
    %dma_wait3A_45 = tpu.memref_slice %arg5[%dma_wait3A_44] : memref<8224xi32, #tpu.memory_space<vmem>> -> memref<48xi32, #tpu.memory_space<vmem>>
    %dma_wait3A_46 = arith.constant 0 : i32
    %dma_wait3A_47 = arith.constant 0 : i32
    %dma_wait3A_48 = tpu.memref_slice %arg2[%dma_wait3A_46, %dma_wait3A_47] : memref<16640x512xf32, #tpu.memory_space<hbm>> -> memref<16640x512xf32, #tpu.memory_space<hbm>>
    tpu.wait_indirect_dma semaphore(%arg9 : memref<!tpu.dma_semaphore, #tpu.memory_space<semaphore_mem>>) src(%dma_wait3A_48 : memref<16640x512xf32, #tpu.memory_space<hbm>>) dst(%dma_wait3A_43 : memref<48x512xf32, #tpu.memory_space<vmem>>)
    %add3A_49 = arith.constant 8176 : i32
    %add3A_50 = arith.addi %mul3A_2, %add3A_49 : i32
    "tpu.region"() ({
      %run_scoped3A = tpu.sem_alloc : memref<!tpu.dma_semaphore, #tpu.memory_space<semaphore_mem>>
      %dma_start3A_51 = arith.constant 0 : i32
      %dma_start3A_52 = arith.constant 0 : i32
      %dma_start3A_53 = tpu.memref_slice %arg7[%dma_start3A_51, %dma_start3A_52] : memref<112x512xf32, #tpu.memory_space<vmem>> -> memref<48x512xf32, #tpu.memory_space<vmem>>
      %dma_start3A_54 = arith.constant 0 : i32
      %dma_start3A_55 = tpu.memref_slice %arg4[%add3A_50, %dma_start3A_54] : memref<263168x512xf32, #tpu.memory_space<hbm>> -> memref<48x512xf32, #tpu.memory_space<hbm>>
      %dma_start3A_56 = arith.constant 0 : i32
      %dma_start3A_57 = tpu.memref_slice %arg4[%add3A_50, %dma_start3A_56] : memref<263168x512xf32, #tpu.memory_space<hbm>> -> memref<48x512xf32, #tpu.memory_space<hbm>>
      %dma_start3A_58 = arith.constant 0 : i32
      %dma_start3A_59 = arith.constant 0 : i32
      %dma_start3A_60 = tpu.memref_slice %arg7[%dma_start3A_58, %dma_start3A_59] : memref<112x512xf32, #tpu.memory_space<vmem>> -> memref<48x512xf32, #tpu.memory_space<vmem>>
      tpu.enqueue_dma source(%dma_start3A_60 : memref<48x512xf32, #tpu.memory_space<vmem>>) target(%dma_start3A_57 : memref<48x512xf32, #tpu.memory_space<hbm>>) target_semaphore(%run_scoped3A : memref<!tpu.dma_semaphore, #tpu.memory_space<semaphore_mem>>)
      %dma_wait3A_61 = arith.constant 0 : i32
      %dma_wait3A_62 = arith.constant 0 : i32
      %dma_wait3A_63 = tpu.memref_slice %arg7[%dma_wait3A_61, %dma_wait3A_62] : memref<112x512xf32, #tpu.memory_space<vmem>> -> memref<48x512xf32, #tpu.memory_space<vmem>>
      %dma_wait3A_64 = arith.constant 0 : i32
      %dma_wait3A_65 = tpu.memref_slice %arg4[%add3A_50, %dma_wait3A_64] : memref<263168x512xf32, #tpu.memory_space<hbm>> -> memref<48x512xf32, #tpu.memory_space<hbm>>
      %dma_wait3A_66 = arith.constant 0 : i32
      %dma_wait3A_67 = tpu.memref_slice %arg4[%add3A_50, %dma_wait3A_66] : memref<263168x512xf32, #tpu.memory_space<hbm>> -> memref<48x512xf32, #tpu.memory_space<hbm>>
      %dma_wait3A_68 = arith.constant 0 : i32
      %dma_wait3A_69 = arith.constant 0 : i32
      %dma_wait3A_70 = tpu.memref_slice %arg7[%dma_wait3A_68, %dma_wait3A_69] : memref<112x512xf32, #tpu.memory_space<vmem>> -> memref<48x512xf32, #tpu.memory_space<vmem>>
      tpu.wait_dma2 semaphore(%run_scoped3A : memref<!tpu.dma_semaphore, #tpu.memory_space<semaphore_mem>>) src(%dma_wait3A_70 : memref<48x512xf32, #tpu.memory_space<vmem>>) dst(%dma_wait3A_67 : memref<48x512xf32, #tpu.memory_space<hbm>>)
      tpu.yield
    }) : () -> ()
    return
  }
}

</mosaic_0001>

<sc_bundles>
// kernel: kernel.3.cloned.1.call-start
scs
__scs_entry_jumppad:
0x0: {  	(pc) =	sbr.rel $0x88, $3  }
0x1: {  	(tag) =	ssettag $0x0;
	lr =	simm.s32 $0x1  }
0x2: {  	[smem:$0x3F9F] =	sst lr;
	_ =	strace $0xD0000000  }
0x3: {  	_ = 	snop  }
0x4: {  	_ = 	snop  }
0x5: {  	_ = 	snop  }
0x6: {  	_ = 	snop  }
0x7: {  	_ = 	snop  }
__scs_overlays_trampoline_lowered:
0x8: {  	[smem:$0x3FAE] =	sst s0  }
0x9: {  	[smem:$0x3FAF] =	sst s1  }
0xa: {  	[smem:$0x3FB0] =	sst s2  }
0xb: {  	[smem:$0x3FB1] =	sst s3  }
0xc: {  	[smem:$0x3FB2] =	sst s4  }
0xd: {  	[smem:$0x3FB3] =	sst s5  }
0xe: {  	[smem:$0x3FB4] =	sst s6  }
0xf: {  	[smem:$0x3FB5] =	sst s7  }
0x10: {  	[smem:$0x3FB6] =	sst s8  }
0x11: {  	[smem:$0x3FB7] =	sst s9;
	s0 =	simm.s32 @!p0 $0x0  }
0x12: {  	s1 =	sld [smem:$0x3F9D];
	s0 =	simm.s32 @p0 $0x1  }
0x13: {  	[smem:$0x3FB8] =	sst s0;
	s0 =	simm.s32 @!p1 $0x0  }
0x14: {  	s2 =	sld [smem:$0x3F9C];
	s0 =	simm.s32 @p1 $0x1  }
0x15: {  	[smem:$0x3FB9] =	sst s0;
	s0 =	simm.s32 @!p2 $0x0  }
0x16: {  	s3 =	sld [smem:$0x3FDB];
	s0 =	simm.s32 @p2 $0x1  }
0x17: {  	s4 =	simm.s32 $0x1BF5;
	[smem:$0x3FBB] =	sst s0  }
0x18: {  	s0 =	sld [smem:$0x3F9E];
	_ =	swait.ge [sflag:s4], $0x0  }
0x19: {  	s7 =	sld [smem:$0x3F9F]  }
0x1a: {  	s8 =	sadd.s32 $0xFFFFE003, lr  }
0x1b: {  	s9 =	sadd.s32 $0xFFFFFEF7, lr;
	s5 =	simm.s32 $0xFFFFFFFF;
	p2 =	slt.u32 s8, $0xFFFFF086  }
0x1c: {  	p1 =	slt.u32 s9, $0xF7A;
	s5 =	simm.s32 @!p2 $0x0  }
0x1d: {  	s5 =	simm.s32 @p1 $0x1;
	p0 =	seq.s32 s7, s2  }
0x1e: {  	s7 =	smul.u32 @!p0 $0xF7A, s2;
	p2 =	seq.s32 @!p0 s5, $0x0  }
0x1f: {  	s9 =	smul.u32 $0xF7A, s1;
	s8 =	simm.s32 @!p0 $0x1BF5;
	p2 =	por !p2, p0  }
0x20: {  	[sflag:s8] =	ssyncset.s32 @!p0 $0xFFFFF086;
	s6 =	sadd.s32 @!p0 s3, s7;
	s7 =	simm.s32 @!p0 $0x108  }
0x21: {  	s3 =	sadd.s32 s3, s9;
	s6 =	sadd.s32 @!p0 $0x88, s6;
	s7 =	simm.s32 @p2 $0x1082  }
0x22: {  	[simem:s7], [sflag:s8] =	dma.local @!p0 [hbm:s6], $0xF7A  }
0x23: {  	s9 =	sor.u32 $0xD0000000, s2;
	s6 =	simm.s32 $0x108;
	_ =	swait.ge @!p0 [sflag:s8], $0x0  }
0x24: {  	s3 =	sadd.s32 $0x88, s3;
	s6 =	simm.s32 @!p1 $0x1082;
	[sflag:s4] =	ssyncset.s32 $0xFFFFF086  }
0x25: {  	[simem:s6], [sflag:s4] =	dma.local [hbm:s3], $0xF7A  }
0x26: {  	[smem:$0x3F9F] =	sst s1;
	(tag) =	ssettag s2;
	_ =	strace s9  }
0x27: {  	s1 =	sld [smem:$0x3FAF]  }
0x28: {  	s2 =	sld [smem:$0x3FB0]  }
0x29: {  	s4 =	sld [smem:$0x3FB2]  }
0x2a: {  	p0 =	seq.s32 s5, $0x0;
	s5 =	sld [smem:$0x3FB3]  }
0x2b: {  	s6 =	sld [smem:$0x3FB4]  }
0x2c: {  	s7 =	sld [smem:$0x3FB5]  }
0x2d: {  	s3 =	simm.s32 $0x108;
	s8 =	sld [smem:$0x3FB6]  }
0x2e: {  	s3 =	simm.s32 @!p0 $0x1082;
	s9 =	sld [smem:$0x3FB7]  }
0x2f: {  	lr =	sadd.s32 s0, s3;
	s0 =	sld [smem:$0x3FAE]  }
0x30: {  	s3 =	sld [smem:$0x3FB1]  }
0x31: {  	[smem:$0x3FBA] =	sst s10  }
0x32: {  	s10 =	sld [smem:$0x3FB8];
	_ =	sdelay $0x3  }
0x33: {  	p0 =	seq.s32 s10, $0x1;
	s10 =	sld [smem:$0x3FBA];
	_ =	sdelay $0x3  }
0x34: {  	[smem:$0x3FBA] =	sst s10  }
0x35: {  	s10 =	sld [smem:$0x3FB9];
	_ =	sdelay $0x3  }
0x36: {  	p1 =	seq.s32 s10, $0x1;
	s10 =	sld [smem:$0x3FBA];
	_ =	sdelay $0x3  }
0x37: {  	[smem:$0x3FBA] =	sst s10  }
0x38: {  	s10 =	sld [smem:$0x3FBB]  }
0x39: {  	_ = 	snop;
	(pc) =	sbr.ind lr, $3  }
0x3a: {  	_ = 	snop  }
0x3b: {  	_ = 	snop  }
0x3c: {  	p2 =	seq.s32 s10, $0x1;
	s10 =	sld [smem:$0x3FBA]  }
0x3d: {  	_ =	shalt  }
0x3e: {  	_ =	shalt  }
0x3f: {  	_ =	shalt  }
0x40: {  	_ =	shalt  }
0x41: {  	_ =	shalt  }
0x42: {  	_ =	shalt  }
0x43: {  	_ =	shalt  }
0x44: {  	_ =	shalt  }
0x45: {  	_ =	shalt  }
0x46: {  	_ =	shalt  }
0x47: {  	_ =	shalt  }
0x48: {  	_ =	shalt  }
0x49: {  	_ =	shalt  }
0x4a: {  	_ =	shalt  }
0x4b: {  	_ =	shalt  }
0x4c: {  	_ =	shalt  }
0x4d: {  	_ =	shalt  }
0x4e: {  	_ =	shalt  }
0x4f: {  	_ =	shalt  }
0x50: {  	_ =	shalt  }
0x51: {  	_ =	shalt  }
0x52: {  	_ =	shalt  }
0x53: {  	_ =	shalt  }
0x54: {  	_ =	shalt  }
0x55: {  	_ =	shalt  }
0x56: {  	_ =	shalt  }
0x57: {  	_ =	shalt  }
0x58: {  	_ =	shalt  }
0x59: {  	_ =	shalt  }
0x5a: {  	_ =	shalt  }
0x5b: {  	_ =	shalt  }
0x5c: {  	_ =	shalt  }
0x5d: {  	_ =	shalt  }
0x5e: {  	_ =	shalt  }
0x5f: {  	_ =	shalt  }
0x60: {  	_ =	shalt  }
0x61: {  	_ =	shalt  }
0x62: {  	_ =	shalt  }
0x63: {  	_ =	shalt  }
0x64: {  	_ =	shalt  }
0x65: {  	_ =	shalt  }
0x66: {  	_ =	shalt  }
0x67: {  	_ =	shalt  }
0x68: {  	_ =	shalt  }
0x69: {  	_ =	shalt  }
0x6a: {  	_ =	shalt  }
0x6b: {  	_ =	shalt  }
0x6c: {  	_ =	shalt  }
0x6d: {  	_ =	shalt  }
0x6e: {  	_ =	shalt  }
0x6f: {  	_ =	shalt  }
0x70: {  	_ =	shalt  }
0x71: {  	_ =	shalt  }
0x72: {  	_ =	shalt  }
0x73: {  	_ =	shalt  }
0x74: {  	_ =	shalt  }
0x75: {  	_ =	shalt  }
0x76: {  	_ =	shalt  }
0x77: {  	_ =	shalt  }
0x78: {  	_ =	shalt  }
0x79: {  	_ =	shalt  }
0x7a: {  	_ =	shalt  }
0x7b: {  	_ =	shalt  }
0x7c: {  	_ =	shalt  }
0x7d: {  	_ =	shalt  }
0x7e: {  	_ =	shalt  }
0x7f: {  	_ =	shalt  }
0x80: {  	_ =	shalt  }
0x81: {  	_ =	shalt  }
0x82: {  	_ =	shalt  }
0x83: {  	_ =	shalt  }
0x84: {  	_ =	shalt  }
0x85: {  	_ =	shalt  }
0x86: {  	_ =	shalt  }
0x87: {  	_ =	shalt  }
.Lfunc_end0:
.L_simem_size_0:
called_computation_lowered:
.L_overlay_start_0:
0x88: {  	s2 =	sld [smem:$0x3FD9]  }
0x89: {  	s3 =	sld [smem:$0x3FFE];
	_ =	sdelay $0x1  }
0x8a: {  	s1 =	srdreg.scid  }
0x8b: {  	s0 =	sand.u32 $0x1, s1  }
0x8c: {  	s17 =	sshll.u32 s0, $0xA;
	s2 =	sadd.s32 s3, s2  }
0x8d: {  	s2 =	sadd.s32 s2, s17  }
0x8e: {  	[smem:$0x3FC6] =	sst s2  }
0x8f: {  	_ = 	snop  }
0x90: {  	s2 =	sld [smem:$0x3FC8]  }
0x91: {  	s18 =	sld [smem:$0x3FD0];
	(tm) =	ssettm $0x1  }
0x92: {  	s4 =	sld [smem:$0x3FFB];
	_ =	sdelay $0x3  }
0x93: {  	_ =	strace s4  }
0x94: {  	s4 =	sld [smem:$0x3FFC];
	_ =	sdelay $0x3  }
0x95: {  	_ =	strace s4  }
0x96: {  	s4 =	sld [smem:$0x3FFD];
	_ =	sdelay $0x3  }
0x97: {  	_ =	strace s4  }
0x98: {  	_ =	strace $0x8FFFFFFF  }
0x99: {  	s19 =	sld [smem:$0x3FDB];
	_ =	sdelay $0x1  }
0x9a: {  	s5 =	simm.s32 $_scs_section_size  }
0x9b: {  	s6 =	simm.s32 $_size__tile_overlayer_lowered;
	s7 =	simm.s32 $_tile_overlayer_lowered  }
0x9c: {  	s22 =	simm.s32 $0x1BFF;
	s21 =	sshll.u32 s7, $0x1;
	s4 =	sadd.s32 s5, s19  }
0x9d: {  	s8 =	simm.s32 $0x0;
	s20 =	sshll.u32 s6, $0x1;
	s6 =	sadd.s32 s21, s4  }
0x9e: {  	[timem:s8], [sflag:s22] =	dma.local [hbm:s6], s20  }
0x9f: {  	_ =	swait.ge [sflag:s22], s20  }
0xa0: {  	s5 =	ssub.s32 $0x0, s20;
	[sflag:s22] =	ssyncset.done $0x0  }
0xa1: {  	[sflag:s22] =	ssyncadd.s32 s5;
	_ =	sdelay $0x1  }
0xa2: {  	s23 =	simm.s32 $0x1B8B  }
0xa3: {  	_ =	swait.ge [sflag:s23], $0x1  }
0xa4: {  	[sflag:s23] =	ssyncset.done $0x0  }
0xa5: {  	s25 =	simm.s32 $0x1B8E;
	s24 =	sld [smem:$0x3FFE];
	[sflag:s23] =	ssyncadd.s32 $0xFFFFFFFF  }
0xa6: {  	s26 =	simm.s32 $execute0_lowered;
	[smem:$0x3FD2] =	sst s25  }
0xa7: {  	s6 =	sshll.u32 s26, $0x1;
	_ =	strace $0x80000046;
	[dreg:$0x1] =	wrdreg $0xFFFFFFFF  }
0xa8: {  	s28 =	simm.s32 $_size_execute0_lowered;
	s4 =	sadd.s32 s4, s6;
	[dreg:$0x0] =	wrdreg $0x0  }
0xa9: {  	s6 =	sshll.u32 s28, $0x1;
	[dreg:$0x2] =	wrdreg s4  }
0xaa: {  	[dreg:$0x3] =	wrdreg s6  }
0xab: {  	[dreg:$0x4] =	wrdreg $0xC0  }
0xac: {  	_ =	task [dreg:s8], $0x5FFFF  }
0xad: {  	[dreg:$0x1] =	wrdreg $0xFFFFFFFF  }
0xae: {  	[dreg:$0x0] =	wrdreg $0x60  }
0xaf: {  	[dreg:$0x2] =	wrdreg s2  }
0xb0: {  	[dreg:$0x3] =	wrdreg s24  }
0xb1: {  	[dreg:$0x4] =	wrdreg s18  }
0xb2: {  	[dreg:$0x5] =	wrdreg $0x9  }
0xb3: {  	_ =	task.clear_ibuf [dreg:s8], $0x6FFFF;
	_ =	strace $0x90000046  }
0xb4: {  	s29 =	simm.s32 $0x9;
	_ =	strace $0x80000048  }
0xb5: {  	_ =	swait.ge [sflag:s29], $0x1  }
0xb6: {  	[sflag:s29] =	ssyncadd.s32 $0xFFFFFFFF  }
0xb7: {  	_ =	strace $0x90000048  }
0xb8: {  	_ =	sfence  }
0xb9: {  	s30 =	sld [smem:$0x0];
	_ =	sdelay $0x2  }
0xba: {  	s31 =	sshll.u32 s1, $0xD;
	s1 =	sshrl.u32 s1, $0x2  }
0xbb: {  	s3 =	sand.u32 $0x4000, s31;
	s1 =	sadd.s32 s1, s30  }
0xbc: {  	s0 =	sor.u32 s3, s0;
	s1 =	sshll.u32 s1, $0x11  }
0xbd: {  	s0 =	sor.u32 s1, s0  }
0xbe: {  	s0 =	sadd.s32 $0x8F2B, s0  }
0xbf: {  	[sflag:s0] =	ssyncadd.remote.s32 $0x1  }
0xc0: {  	_ =	sfence.sel $0xFFFF  }
0xc1: {  	[dreg:$0x0] =	wrdreg $0xFFFFFFFF;
	(pc) =	sbr.abs _section_cstart, $3  }
0xc2: {  	[dreg:$0x1] =	wrdreg $0xFFFFFFFF  }
0xc3: {  	_ =	task.clear_ibuf [dreg:s8], $0x2FFFF;
	_ =	strace $0x9FFFFFFF  }
0xc4: {  	(tm) =	ssettm $0x7FFFFFFF  }
0xc5: {  	_ =	shalt  }
tec
execute0_lowered:
.L_overlay_start_1:
0x0: {  	(tag) =	ssettag $0x1  }
0x1: {  	s1 =	rddreg [dreg:$0x0]  }
0x2: {  	s0 =	rddreg [dreg:$0x1]  }
0x3: {  	s4 =	rddreg [dreg:$0x2];
	s3 =	simm.s32 $0x0  }
0x4: {  	s10 =	simm.s32 $0x16080;
	[smem:$0x7FF] =	sst s3  }
0x5: {  	s12 =	simm.s32 $0x16880;
	_ =	strace $0x80000047;
	[dreg:$0x5] =	wrdreg s10  }
0x6: {  	s13 =	simm.s32 $0x17080;
	[dreg:$0x6] =	wrdreg s12  }
0x7: {  	s2 =	srdreg.scid;
	s14 =	simm.s32 $0x17880;
	[dreg:$0x7] =	wrdreg s13  }
0x8: {  	s8 =	stileid.u32;
	s15 =	simm.s32 $0x18080;
	[dreg:$0x8] =	wrdreg s14  }
0x9: {  	s28 =	simm.s32 $0x5;
	s16 =	simm.s32 $0x18880;
	[dreg:$0x9] =	wrdreg s15  }
0xa: {  	s29 =	simm.s32 $0x2880;
	s17 =	simm.s32 $0x19080;
	[dreg:$0xa] =	wrdreg s16  }
0xb: {  	s30 =	simm.s32 $0x3080;
	s18 =	simm.s32 $0x19880;
	[dreg:$0xb] =	wrdreg s17  }
0xc: {  	s31 =	simm.s32 $0x3880;
	s19 =	simm.s32 $0x1A080;
	[dreg:$0xc] =	wrdreg s18  }
0xd: {  	s20 =	simm.s32 $0x1A880;
	s21 =	simm.s32 $0x1B080;
	[dreg:$0xd] =	wrdreg s19  }
0xe: {  	s22 =	simm.s32 $0x1B880;
	s23 =	simm.s32 $0x1C080;
	[dreg:$0xe] =	wrdreg s20  }
0xf: {  	s24 =	simm.s32 $0x1C880;
	s2 =	sand.u32 $0x1, s2;
	[dreg:$0xf] =	wrdreg s21  }
0x10: {  	s5 =	sshll.u32 s8, $0x1;
	s8 =	smul.u32 $0x101000, s8;
	[dreg:$0x10] =	wrdreg s22  }
0x11: {  	s5 =	sor.u32 s2, s5;
	s7 =	ssub.s32 $0x2, s2;
	[dreg:$0x11] =	wrdreg s23  }
0x12: {  	s2 =	smul.u32 $0x80800, s2;
	s10 =	simm.s32 $0x2080;
	[dreg:$0x12] =	wrdreg s24  }
0x13: {  	s12 =	simm.s32 $0x10080;
	s24 =	simm.s32 $0x2;
	s16 =	simm.s32 $0x9080  }
0x14: {  	s17 =	simm.s32 $0x9880;
	s18 =	simm.s32 $0xA080;
	s19 =	simm.s32 $0xA880  }
0x15: {  	s20 =	simm.s32 $0xB080;
	s21 =	simm.s32 $0xB880;
	s6 =	smul.u32 $0x2020, s5  }
0x16: {  	s22 =	simm.s32 $0xC080;
	s23 =	simm.s32 $0xC880;
	s5 =	smul.u32 $0x404000, s5  }
0x17: {  	s13 =	simm.s32 $0x11080;
	s14 =	simm.s32 $0x11880;
	s6 =	sshrl.u32 s6, $0x3  }
0x18: {  	s25 =	sshrl.u32 s7, $0x1;
	s5 =	sshrl.u32 s5, $0x3;
	s0 =	sadd.s32 s6, s0  }
0x19: {  	s6 =	ssub.s32 s7, s25;
	s26 =	sadd.s32 s4, s5;
	s4 =	sadd.s32 s8, s4  }
0x1a: {  	s5 =	sadd.s32 $0x100, s1;
	s25 =	simm.s32 $0x1D080;
	s7 =	simm.s32 $0xF080  }
0x1b: {  	s8 =	simm.s32 $0xF880;
	s0 =	sadd.s32 $0x400, s0;
	[dreg:$0x13] =	wrdreg s25  }
0x1c: {  	s9 =	sadd.s32 $0x7E000, s26;
	s2 =	sadd.s32 s2, s4;
	[dreg:$0x15] =	wrdreg s0  }
0x1d: {  	s11 =	smax.u32 s6, $0x1;
	s25 =	simm.s32 $0x3;
	[dreg:$0x16] =	wrdreg s9  }
0x1e: {  	s4 =	simm.s32 $0xE080;
	s6 =	simm.s32 $0xE880;
	[dreg:$0x4] =	wrdreg s2  }
0x1f: {  	v2 =	vlaneseq.u32;
	s0 =	sadd.s32 $0x7FC00, s26;
	[dreg:$0x18] =	wrdreg s11;
	s26 =	simm.s32 $0x1D880  }
0x20: {  	vm0 =	vmmov $0xffff;
	v1 =	vshrl.u32 v2, $0x3;
	s11 =	simm.s32 $0x1;
	s2 =	simm.s32 $0xD080;
	[dreg:$0x17] =	wrdreg s0  }
0x21: {  	v0 =	vand.u32 $0x7, v2;
	v2 =	vor.u32 $0x8, v2;
	v1 =	vmul.u32 $0x8, v1;
	s9 =	simm.s32 $0x10880;
	[dreg:$0x14] =	wrdreg s26;
	s0 =	simm.s32 $0x0  }
.LBB2_1:
0x22: {  	[dreg:$0x19] =	wrdreg s0  }
0x23: {  	s26 =	rddreg [dreg:$0x15]  }
0x24: {  	[tilespmem:s3], [sflag:$0x5] =	stream.linear.gather [hbm4b:s26+s3], $0x2020, $0x38;
	[tilespmem:$0x1E080] =	vst v63  }
0x25: {  	_ =	swait.ge [sflag:s28], $0x2020  }
0x26: {  	[sflag:s28] =	ssyncset.done $0x0  }
0x27: {  	[sflag:s28] =	ssyncadd.s32 $0xFFFFDFE0  }
0x28: {  	v3 =	vld [tilespmem:$0x0];
	_ =	sdelay $0x4  }
0x29: {  	v4 =	vshll.u32 v3, $0x2  }
0x2a: {  	v3 =	vand.u32 $0x7, v3;
	v4 =	vand.u32 $0xFFFFFFE0, v4  }
0x2b: {  	v3 =	vor.u32 v3, v4  }
0x2c: {  	v4 =	vperm.xlane v3, v0;
	_ =	sdelay $0x1  }
0x2d: {  	v4 =	vadd.s32 v1, v4;
	_ =	sdelay $0x1  }
0x2e: {  	v3 =	vperm.xlane v3, v2;
	_ =	sdelay $0x1  }
0x2f: {  	v3 =	vadd.s32 v1, v3  }
0x30: {  	[tilespmem:s10], [sflag:$0x1] =	stream.indirect_vreg.gather [hbm4b:s1+s3], $0x80, v4, vm0, $0xb8;
	[tilespmem:$0x1E080] =	vst v63  }
0x31: {  	_ = 	snop  }
0x32: {  	[tilespmem:s29], [sflag:$0x1] =	stream.indirect_vreg.gather [hbm4b:s5+s3], $0x80, v4, vm0, $0xb8;
	[tilespmem:$0x1E080] =	vst v63  }
0x33: {  	_ = 	snop  }
0x34: {  	[tilespmem:s30], [sflag:$0x1] =	stream.indirect_vreg.gather [hbm4b:s1+s3], $0x80, v3, vm0, $0xb8;
	[tilespmem:$0x1E080] =	vst v63  }
0x35: {  	_ = 	snop  }
0x36: {  	[tilespmem:s31], [sflag:$0x1] =	stream.indirect_vreg.gather [hbm4b:s5+s3], $0x80, v3, vm0, $0xb8;
	[tilespmem:$0x1E080] =	vst v63  }
0x37: {  	v3 =	vld [tilespmem:$0x10];
	_ =	sdelay $0x4  }
0x38: {  	v58 =	vshll.u32 v3, $0x2  }
0x39: {  	v3 =	vand.u32 $0x7, v3;
	v4 =	vand.u32 $0xFFFFFFE0, v58  }
0x3a: {  	v3 =	vor.u32 v3, v4  }
0x3b: {  	v4 =	vperm.xlane v3, v0;
	_ =	sdelay $0x1  }
0x3c: {  	v4 =	vadd.s32 v1, v4;
	_ =	sdelay $0x1  }
0x3d: {  	v3 =	vperm.xlane v3, v2;
	_ =	sdelay $0x1  }
0x3e: {  	s15 =	simm.s32 $0x4080;
	v3 =	vadd.s32 v1, v3  }
0x3f: {  	[tilespmem:s15], [sflag:$0x1] =	stream.indirect_vreg.gather [hbm4b:s1+s3], $0x80, v4, vm0, $0xb8;
	[tilespmem:$0x1E080] =	vst v63  }
0x40: {  	s26 =	simm.s32 $0x4880  }
0x41: {  	[tilespmem:s26], [sflag:$0x1] =	stream.indirect_vreg.gather [hbm4b:s5+s3], $0x80, v4, vm0, $0xb8;
	[tilespmem:$0x1E080] =	vst v63  }
0x42: {  	s29 =	simm.s32 $0x5080  }
0x43: {  	[tilespmem:s29], [sflag:$0x1] =	stream.indirect_vreg.gather [hbm4b:s1+s3], $0x80, v3, vm0, $0xb8;
	[tilespmem:$0x1E080] =	vst v63  }
0x44: {  	s30 =	simm.s32 $0x5880  }
0x45: {  	[tilespmem:s30], [sflag:$0x1] =	stream.indirect_vreg.gather [hbm4b:s5+s3], $0x80, v3, vm0, $0xb8;
	[tilespmem:$0x1E080] =	vst v63  }
0x46: {  	v3 =	vld [tilespmem:$0x20];
	_ =	sdelay $0x4  }
0x47: {  	v59 =	vshll.u32 v3, $0x2  }
0x48: {  	v3 =	vand.u32 $0x7, v3;
	v4 =	vand.u32 $0xFFFFFFE0, v59  }
0x49: {  	v3 =	vor.u32 v3, v4  }
0x4a: {  	v4 =	vperm.xlane v3, v0;
	_ =	sdelay $0x1  }
0x4b: {  	v4 =	vadd.s32 v1, v4;
	_ =	sdelay $0x1  }
0x4c: {  	v3 =	vperm.xlane v3, v2;
	_ =	sdelay $0x1  }
0x4d: {  	s31 =	simm.s32 $0x6080;
	v3 =	vadd.s32 v1, v3  }
0x4e: {  	[tilespmem:s31], [sflag:$0x1] =	stream.indirect_vreg.gather [hbm4b:s1+s3], $0x80, v4, vm0, $0xb8;
	[tilespmem:$0x1E080] =	vst v63  }
0x4f: {  	s15 =	simm.s32 $0x6880  }
0x50: {  	[tilespmem:s15], [sflag:$0x1] =	stream.indirect_vreg.gather [hbm4b:s5+s3], $0x80, v4, vm0, $0xb8;
	[tilespmem:$0x1E080] =	vst v63  }
0x51: {  	s26 =	simm.s32 $0x7080  }
0x52: {  	[tilespmem:s26], [sflag:$0x1] =	stream.indirect_vreg.gather [hbm4b:s1+s3], $0x80, v3, vm0, $0xb8;
	[tilespmem:$0x1E080] =	vst v63  }
0x53: {  	s29 =	simm.s32 $0x7880  }
0x54: {  	[tilespmem:s29], [sflag:$0x1] =	stream.indirect_vreg.gather [hbm4b:s5+s3], $0x80, v3, vm0, $0xb8;
	[tilespmem:$0x1E080] =	vst v63  }
0x55: {  	v3 =	vld [tilespmem:$0x30];
	_ =	sdelay $0x4  }
0x56: {  	v60 =	vshll.u32 v3, $0x2  }
0x57: {  	v3 =	vand.u32 $0x7, v3;
	v4 =	vand.u32 $0xFFFFFFE0, v60  }
0x58: {  	v3 =	vor.u32 v3, v4  }
0x59: {  	v4 =	vperm.xlane v3, v0;
	_ =	sdelay $0x1  }
0x5a: {  	v4 =	vadd.s32 v1, v4;
	_ =	sdelay $0x1  }
0x5b: {  	v3 =	vperm.xlane v3, v2;
	_ =	sdelay $0x1  }
0x5c: {  	s30 =	simm.s32 $0x8080;
	v3 =	vadd.s32 v1, v3  }
0x5d: {  	[tilespmem:s30], [sflag:$0x1] =	stream.indirect_vreg.gather [hbm4b:s1+s3], $0x80, v4, vm0, $0xb8;
	[tilespmem:$0x1E080] =	vst v63  }
0x5e: {  	s31 =	simm.s32 $0x8880  }
0x5f: {  	[tilespmem:s31], [sflag:$0x1] =	stream.indirect_vreg.gather [hbm4b:s5+s3], $0x80, v4, vm0, $0xb8;
	[tilespmem:$0x1E080] =	vst v63  }
0x60: {  	_ = 	snop  }
0x61: {  	[tilespmem:s16], [sflag:$0x1] =	stream.indirect_vreg.gather [hbm4b:s1+s3], $0x80, v3, vm0, $0xb8;
	[tilespmem:$0x1E080] =	vst v63  }
0x62: {  	_ = 	snop  }
0x63: {  	[tilespmem:s17], [sflag:$0x1] =	stream.indirect_vreg.gather [hbm4b:s5+s3], $0x80, v3, vm0, $0xb8;
	[tilespmem:$0x1E080] =	vst v63  }
0x64: {  	v3 =	vld [tilespmem:$0x40];
	_ =	sdelay $0x4  }
0x65: {  	v61 =	vshll.u32 v3, $0x2  }
0x66: {  	v3 =	vand.u32 $0x7, v3;
	v4 =	vand.u32 $0xFFFFFFE0, v61  }
0x67: {  	v3 =	vor.u32 v3, v4  }
0x68: {  	v4 =	vperm.xlane v3, v0;
	_ =	sdelay $0x1  }
0x69: {  	v4 =	vadd.s32 v1, v4;
	_ =	sdelay $0x1  }
0x6a: {  	v3 =	vperm.xlane v3, v2;
	_ =	sdelay $0x1  }
0x6b: {  	v3 =	vadd.s32 v1, v3  }
0x6c: {  	[tilespmem:s18], [sflag:$0x1] =	stream.indirect_vreg.gather [hbm4b:s1+s3], $0x80, v4, vm0, $0xb8;
	[tilespmem:$0x1E080] =	vst v63  }
0x6d: {  	_ = 	snop  }
0x6e: {  	[tilespmem:s19], [sflag:$0x1] =	stream.indirect_vreg.gather [hbm4b:s5+s3], $0x80, v4, vm0, $0xb8;
	[tilespmem:$0x1E080] =	vst v63  }
0x6f: {  	_ = 	snop  }
0x70: {  	[tilespmem:s20], [sflag:$0x1] =	stream.indirect_vreg.gather [hbm4b:s1+s3], $0x80, v3, vm0, $0xb8;
	[tilespmem:$0x1E080] =	vst v63  }
0x71: {  	_ = 	snop  }
0x72: {  	[tilespmem:s21], [sflag:$0x1] =	stream.indirect_vreg.gather [hbm4b:s5+s3], $0x80, v3, vm0, $0xb8;
	[tilespmem:$0x1E080] =	vst v63  }
0x73: {  	v3 =	vld [tilespmem:$0x50];
	_ =	sdelay $0x4  }
0x74: {  	v62 =	vshll.u32 v3, $0x2  }
0x75: {  	v3 =	vand.u32 $0x7, v3;
	v4 =	vand.u32 $0xFFFFFFE0, v62  }
0x76: {  	v3 =	vor.u32 v3, v4  }
0x77: {  	v4 =	vperm.xlane v3, v0;
	_ =	sdelay $0x1  }
0x78: {  	v4 =	vadd.s32 v1, v4;
	_ =	sdelay $0x1  }
0x79: {  	v3 =	vperm.xlane v3, v2;
	_ =	sdelay $0x1  }
0x7a: {  	v3 =	vadd.s32 v1, v3  }
0x7b: {  	[tilespmem:s22], [sflag:$0x1] =	stream.indirect_vreg.gather [hbm4b:s1+s3], $0x80, v4, vm0, $0xb8;
	[tilespmem:$0x1E080] =	vst v63  }
0x7c: {  	_ = 	snop  }
0x7d: {  	[tilespmem:s23], [sflag:$0x1] =	stream.indirect_vreg.gather [hbm4b:s5+s3], $0x80, v4, vm0, $0xb8;
	[tilespmem:$0x1E080] =	vst v63  }
0x7e: {  	_ = 	snop  }
0x7f: {  	[tilespmem:s2], [sflag:$0x1] =	stream.indirect_vreg.gather [hbm4b:s1+s3], $0x80, v3, vm0, $0xb8;
	[tilespmem:$0x1E080] =	vst v63  }
0x80: {  	s0 =	simm.s32 $0xD880  }
0x81: {  	[tilespmem:s0], [sflag:$0x1] =	stream.indirect_vreg.gather [hbm4b:s5+s3], $0x80, v3, vm0, $0xb8;
	[tilespmem:$0x1E080] =	vst v63  }
0x82: {  	v3 =	vld [tilespmem:$0x60];
	_ =	sdelay $0x4  }
0x83: {  	v63 =	vshll.u32 v3, $0x2  }
0x84: {  	v3 =	vand.u32 $0x7, v3;
	v4 =	vand.u32 $0xFFFFFFE0, v63  }
0x85: {  	v3 =	vor.u32 v3, v4  }
0x86: {  	v4 =	vperm.xlane v3, v0;
	_ =	sdelay $0x1  }
0x87: {  	v4 =	vadd.s32 v1, v4;
	_ =	sdelay $0x1  }
0x88: {  	v3 =	vperm.xlane v3, v2;
	_ =	sdelay $0x1  }
0x89: {  	v3 =	vadd.s32 v1, v3  }
0x8a: {  	[tilespmem:s4], [sflag:$0x1] =	stream.indirect_vreg.gather [hbm4b:s1+s3], $0x80, v4, vm0, $0xb8;
	[tilespmem:$0x1E080] =	vst v63  }
0x8b: {  	_ = 	snop  }
0x8c: {  	[tilespmem:s6], [sflag:$0x1] =	stream.indirect_vreg.gather [hbm4b:s5+s3], $0x80, v4, vm0, $0xb8;
	[tilespmem:$0x1E080] =	vst v63  }
0x8d: {  	_ = 	snop  }
0x8e: {  	[tilespmem:s7], [sflag:$0x1] =	stream.indirect_vreg.gather [hbm4b:s1+s3], $0x80, v3, vm0, $0xb8;
	[tilespmem:$0x1E080] =	vst v63  }
0x8f: {  	s28 =	simm.s32 $0x0;
	s26 =	simm.s32 $0xA0  }
0x90: {  	[tilespmem:s8], [sflag:$0x1] =	stream.indirect_vreg.gather [hbm4b:s5+s3], $0x80, v3, vm0, $0xb8;
	[tilespmem:$0x1E080] =	vst v63  }
.LBB2_2:
0x91: {  	_ =	swait.ge [sflag:s11], $0xE000  }
0x92: {  	p0 =	seq.s32 s28, $0x0;
	s29 =	rddreg [dreg:$0x4];
	[sflag:s11] =	ssyncset.done $0x0  }
0x93: {  	s30 =	simm.s32 @!p0 $0x4;
	[sflag:s11] =	ssyncadd.s32 $0xFFFF2000;
	s29 =	sadd.s32 s28, s29  }
0x94: {  	[hbm4b:s29+s3] =	stream.linear.scatter [tilespmem:s10], [sflag:$0x3], $0xE000, $0x38;
	[tilespmem:$0x1E080] =	vst v63  }
0x95: {  	_ =	swait.ge @!p0 [sflag:s30], $0xE000  }
0x96: {  	[sflag:s30] =	ssyncset.done @!p0 $0x0  }
0x97: {  	[sflag:s30] =	ssyncadd.s32 @!p0 $0xFFFF2000  }
0x98: {  	v3 =	vld [tilespmem:s26+$0xFFFFFFD0];
	_ =	sdelay $0x4  }
0x99: {  	v4 =	vshll.u32 v3, $0x2  }
0x9a: {  	v3 =	vand.u32 $0x7, v3;
	v4 =	vand.u32 $0xFFFFFFE0, v4  }
0x9b: {  	v3 =	vor.u32 v3, v4  }
0x9c: {  	v4 =	vperm.xlane v3, v0;
	_ =	sdelay $0x1  }
0x9d: {  	v4 =	vadd.s32 v1, v4;
	_ =	sdelay $0x1  }
0x9e: {  	v3 =	vperm.xlane v3, v2;
	_ =	sdelay $0x1  }
0x9f: {  	v3 =	vadd.s32 v1, v3  }
0xa0: {  	[tilespmem:s12], [sflag:$0x2] =	stream.indirect_vreg.gather [hbm4b:s1+s3], $0x80, v4, vm0, $0xb8;
	[tilespmem:$0x1E080] =	vst v63  }
0xa1: {  	_ = 	snop  }
0xa2: {  	[tilespmem:s9], [sflag:$0x2] =	stream.indirect_vreg.gather [hbm4b:s5+s3], $0x80, v4, vm0, $0xb8;
	[tilespmem:$0x1E080] =	vst v63  }
0xa3: {  	_ = 	snop  }
0xa4: {  	[tilespmem:s13], [sflag:$0x2] =	stream.indirect_vreg.gather [hbm4b:s1+s3], $0x80, v3, vm0, $0xb8;
	[tilespmem:$0x1E080] =	vst v63  }
0xa5: {  	_ = 	snop  }
0xa6: {  	[tilespmem:s14], [sflag:$0x2] =	stream.indirect_vreg.gather [hbm4b:s5+s3], $0x80, v3, vm0, $0xb8;
	[tilespmem:$0x1E080] =	vst v63  }
0xa7: {  	v3 =	vld [tilespmem:s26+$0xFFFFFFE0];
	_ =	sdelay $0x4  }
0xa8: {  	v51 =	vshll.u32 v3, $0x2  }
0xa9: {  	v3 =	vand.u32 $0x7, v3;
	v4 =	vand.u32 $0xFFFFFFE0, v51  }
0xaa: {  	v3 =	vor.u32 v3, v4  }
0xab: {  	v4 =	vperm.xlane v3, v0;
	_ =	sdelay $0x1  }
0xac: {  	v4 =	vadd.s32 v1, v4;
	_ =	sdelay $0x1  }
0xad: {  	v3 =	vperm.xlane v3, v2;
	_ =	sdelay $0x1  }
0xae: {  	s15 =	simm.s32 $0x12080;
	v3 =	vadd.s32 v1, v3  }
0xaf: {  	[tilespmem:s15], [sflag:$0x2] =	stream.indirect_vreg.gather [hbm4b:s1+s3], $0x80, v4, vm0, $0xb8;
	[tilespmem:$0x1E080] =	vst v63  }
0xb0: {  	s15 =	simm.s32 $0x12880  }
0xb1: {  	[tilespmem:s15], [sflag:$0x2] =	stream.indirect_vreg.gather [hbm4b:s5+s3], $0x80, v4, vm0, $0xb8;
	[tilespmem:$0x1E080] =	vst v63  }
0xb2: {  	s15 =	simm.s32 $0x13080  }
0xb3: {  	[tilespmem:s15], [sflag:$0x2] =	stream.indirect_vreg.gather [hbm4b:s1+s3], $0x80, v3, vm0, $0xb8;
	[tilespmem:$0x1E080] =	vst v63  }
0xb4: {  	s15 =	simm.s32 $0x13880  }
0xb5: {  	[tilespmem:s15], [sflag:$0x2] =	stream.indirect_vreg.gather [hbm4b:s5+s3], $0x80, v3, vm0, $0xb8;
	[tilespmem:$0x1E080] =	vst v63  }
0xb6: {  	v3 =	vld [tilespmem:s26+$0xFFFFFFF0];
	_ =	sdelay $0x4  }
0xb7: {  	v52 =	vshll.u32 v3, $0x2  }
0xb8: {  	v3 =	vand.u32 $0x7, v3;
	v4 =	vand.u32 $0xFFFFFFE0, v52  }
0xb9: {  	v3 =	vor.u32 v3, v4  }
0xba: {  	v4 =	vperm.xlane v3, v0;
	_ =	sdelay $0x1  }
0xbb: {  	v4 =	vadd.s32 v1, v4;
	_ =	sdelay $0x1  }
0xbc: {  	v3 =	vperm.xlane v3, v2;
	_ =	sdelay $0x1  }
0xbd: {  	s15 =	simm.s32 $0x14080;
	v3 =	vadd.s32 v1, v3  }
0xbe: {  	[tilespmem:s15], [sflag:$0x2] =	stream.indirect_vreg.gather [hbm4b:s1+s3], $0x80, v4, vm0, $0xb8;
	[tilespmem:$0x1E080] =	vst v63  }
0xbf: {  	s15 =	simm.s32 $0x14880  }
0xc0: {  	[tilespmem:s15], [sflag:$0x2] =	stream.indirect_vreg.gather [hbm4b:s5+s3], $0x80, v4, vm0, $0xb8;
	[tilespmem:$0x1E080] =	vst v63  }
0xc1: {  	s15 =	simm.s32 $0x15080  }
0xc2: {  	[tilespmem:s15], [sflag:$0x2] =	stream.indirect_vreg.gather [hbm4b:s1+s3], $0x80, v3, vm0, $0xb8;
	[tilespmem:$0x1E080] =	vst v63  }
0xc3: {  	s15 =	simm.s32 $0x15880  }
0xc4: {  	[tilespmem:s15], [sflag:$0x2] =	stream.indirect_vreg.gather [hbm4b:s5+s3], $0x80, v3, vm0, $0xb8;
	[tilespmem:$0x1E080] =	vst v63  }
0xc5: {  	v3 =	vld [tilespmem:s26+$0x0];
	_ =	sdelay $0x4  }
0xc6: {  	v53 =	vshll.u32 v3, $0x2  }
0xc7: {  	v3 =	vand.u32 $0x7, v3;
	v4 =	vand.u32 $0xFFFFFFE0, v53  }
0xc8: {  	v3 =	vor.u32 v3, v4  }
0xc9: {  	v4 =	vperm.xlane v3, v0;
	_ =	sdelay $0x1  }
0xca: {  	v4 =	vadd.s32 v1, v4;
	_ =	sdelay $0x1  }
0xcb: {  	v3 =	vperm.xlane v3, v2;
	_ =	sdelay $0x1  }
0xcc: {  	s30 =	rddreg [dreg:$0x5];
	v3 =	vadd.s32 v1, v3  }
0xcd: {  	[tilespmem:s30], [sflag:$0x2] =	stream.indirect_vreg.gather [hbm4b:s1+s3], $0x80, v4, vm0, $0xb8;
	[tilespmem:$0x1E080] =	vst v63  }
0xce: {  	s31 =	rddreg [dreg:$0x6]  }
0xcf: {  	[tilespmem:s31], [sflag:$0x2] =	stream.indirect_vreg.gather [hbm4b:s5+s3], $0x80, v4, vm0, $0xb8;
	[tilespmem:$0x1E080] =	vst v63  }
0xd0: {  	s30 =	rddreg [dreg:$0x7]  }
0xd1: {  	[tilespmem:s30], [sflag:$0x2] =	stream.indirect_vreg.gather [hbm4b:s1+s3], $0x80, v3, vm0, $0xb8;
	[tilespmem:$0x1E080] =	vst v63  }
0xd2: {  	s31 =	rddreg [dreg:$0x8]  }
0xd3: {  	[tilespmem:s31], [sflag:$0x2] =	stream.indirect_vreg.gather [hbm4b:s5+s3], $0x80, v3, vm0, $0xb8;
	[tilespmem:$0x1E080] =	vst v63  }
0xd4: {  	v3 =	vld [tilespmem:s26+$0x10];
	_ =	sdelay $0x4  }
0xd5: {  	v54 =	vshll.u32 v3, $0x2  }
0xd6: {  	v3 =	vand.u32 $0x7, v3;
	v4 =	vand.u32 $0xFFFFFFE0, v54  }
0xd7: {  	v3 =	vor.u32 v3, v4  }
0xd8: {  	v4 =	vperm.xlane v3, v0;
	_ =	sdelay $0x1  }
0xd9: {  	v4 =	vadd.s32 v1, v4;
	_ =	sdelay $0x1  }
0xda: {  	v3 =	vperm.xlane v3, v2;
	_ =	sdelay $0x1  }
0xdb: {  	s30 =	rddreg [dreg:$0x9];
	v3 =	vadd.s32 v1, v3  }
0xdc: {  	[tilespmem:s30], [sflag:$0x2] =	stream.indirect_vreg.gather [hbm4b:s1+s3], $0x80, v4, vm0, $0xb8;
	[tilespmem:$0x1E080] =	vst v63  }
0xdd: {  	s31 =	rddreg [dreg:$0xa]  }
0xde: {  	[tilespmem:s31], [sflag:$0x2] =	stream.indirect_vreg.gather [hbm4b:s5+s3], $0x80, v4, vm0, $0xb8;
	[tilespmem:$0x1E080] =	vst v63  }
0xdf: {  	s30 =	rddreg [dreg:$0xb]  }
0xe0: {  	[tilespmem:s30], [sflag:$0x2] =	stream.indirect_vreg.gather [hbm4b:s1+s3], $0x80, v3, vm0, $0xb8;
	[tilespmem:$0x1E080] =	vst v63  }
0xe1: {  	s31 =	rddreg [dreg:$0xc]  }
0xe2: {  	[tilespmem:s31], [sflag:$0x2] =	stream.indirect_vreg.gather [hbm4b:s5+s3], $0x80, v3, vm0, $0xb8;
	[tilespmem:$0x1E080] =	vst v63  }
0xe3: {  	v3 =	vld [tilespmem:s26+$0x20];
	_ =	sdelay $0x4  }
0xe4: {  	v55 =	vshll.u32 v3, $0x2  }
0xe5: {  	v3 =	vand.u32 $0x7, v3;
	v4 =	vand.u32 $0xFFFFFFE0, v55  }
0xe6: {  	v3 =	vor.u32 v3, v4  }
0xe7: {  	v4 =	vperm.xlane v3, v0;
	_ =	sdelay $0x1  }
0xe8: {  	v4 =	vadd.s32 v1, v4;
	_ =	sdelay $0x1  }
0xe9: {  	v3 =	vperm.xlane v3, v2;
	_ =	sdelay $0x1  }
0xea: {  	s30 =	rddreg [dreg:$0xd];
	v3 =	vadd.s32 v1, v3  }
0xeb: {  	[tilespmem:s30], [sflag:$0x2] =	stream.indirect_vreg.gather [hbm4b:s1+s3], $0x80, v4, vm0, $0xb8;
	[tilespmem:$0x1E080] =	vst v63  }
0xec: {  	s31 =	rddreg [dreg:$0xe]  }
0xed: {  	[tilespmem:s31], [sflag:$0x2] =	stream.indirect_vreg.gather [hbm4b:s5+s3], $0x80, v4, vm0, $0xb8;
	[tilespmem:$0x1E080] =	vst v63  }
0xee: {  	s30 =	rddreg [dreg:$0xf]  }
0xef: {  	[tilespmem:s30], [sflag:$0x2] =	stream.indirect_vreg.gather [hbm4b:s1+s3], $0x80, v3, vm0, $0xb8;
	[tilespmem:$0x1E080] =	vst v63  }
0xf0: {  	s31 =	rddreg [dreg:$0x10]  }
0xf1: {  	[tilespmem:s31], [sflag:$0x2] =	stream.indirect_vreg.gather [hbm4b:s5+s3], $0x80, v3, vm0, $0xb8;
	[tilespmem:$0x1E080] =	vst v63  }
0xf2: {  	v3 =	vld [tilespmem:s26+$0x30];
	_ =	sdelay $0x4  }
0xf3: {  	v56 =	vshll.u32 v3, $0x2  }
0xf4: {  	v3 =	vand.u32 $0x7, v3;
	v4 =	vand.u32 $0xFFFFFFE0, v56  }
0xf5: {  	v3 =	vor.u32 v3, v4  }
0xf6: {  	v4 =	vperm.xlane v3, v0;
	_ =	sdelay $0x1  }
0xf7: {  	v4 =	vadd.s32 v1, v4;
	_ =	sdelay $0x1  }
0xf8: {  	v3 =	vperm.xlane v3, v2;
	_ =	sdelay $0x1  }
0xf9: {  	s30 =	rddreg [dreg:$0x11];
	v3 =	vadd.s32 v1, v3  }
0xfa: {  	[tilespmem:s30], [sflag:$0x2] =	stream.indirect_vreg.gather [hbm4b:s1+s3], $0x80, v4, vm0, $0xb8;
	[tilespmem:$0x1E080] =	vst v63  }
0xfb: {  	s31 =	rddreg [dreg:$0x12]  }
0xfc: {  	[tilespmem:s31], [sflag:$0x2] =	stream.indirect_vreg.gather [hbm4b:s5+s3], $0x80, v4, vm0, $0xb8;
	[tilespmem:$0x1E080] =	vst v63  }
0xfd: {  	s30 =	rddreg [dreg:$0x13]  }
0xfe: {  	[tilespmem:s30], [sflag:$0x2] =	stream.indirect_vreg.gather [hbm4b:s1+s3], $0x80, v3, vm0, $0xb8;
	[tilespmem:$0x1E080] =	vst v63  }
0xff: {  	s31 =	rddreg [dreg:$0x14]  }
0x100: {  	[tilespmem:s31], [sflag:$0x2] =	stream.indirect_vreg.gather [hbm4b:s5+s3], $0x80, v3, vm0, $0xb8;
	[tilespmem:$0x1E080] =	vst v63  }
0x101: {  	_ =	swait.ge [sflag:s24], $0xE000  }
0x102: {  	[sflag:s24] =	ssyncset.done $0x0  }
0x103: {  	s29 =	sadd.s32 $0x1C00, s29;
	[sflag:s24] =	ssyncadd.s32 $0xFFFF2000  }
0x104: {  	[hbm4b:s29+s3] =	stream.linear.scatter [tilespmem:s12], [sflag:$0x4], $0xE000, $0x38;
	[tilespmem:$0x1E080] =	vst v63  }
0x105: {  	_ =	swait.ge [sflag:s25], $0xE000  }
0x106: {  	[sflag:s25] =	ssyncset.done $0x0  }
0x107: {  	[sflag:s25] =	ssyncadd.s32 $0xFFFF2000  }
0x108: {  	v3 =	vld [tilespmem:s26+$0x40];
	_ =	sdelay $0x4  }
0x109: {  	v57 =	vshll.u32 v3, $0x2  }
0x10a: {  	v3 =	vand.u32 $0x7, v3;
	v4 =	vand.u32 $0xFFFFFFE0, v57  }
0x10b: {  	v3 =	vor.u32 v3, v4  }
0x10c: {  	v4 =	vperm.xlane v3, v0;
	_ =	sdelay $0x1  }
0x10d: {  	v4 =	vadd.s32 v1, v4;
	_ =	sdelay $0x1  }
0x10e: {  	v3 =	vperm.xlane v3, v2;
	_ =	sdelay $0x1  }
0x10f: {  	v3 =	vadd.s32 v1, v3  }
0x110: {  	[tilespmem:s10], [sflag:$0x1] =	stream.indirect_vreg.gather [hbm4b:s1+s3], $0x80, v4, vm0, $0xb8;
	[tilespmem:$0x1E080] =	vst v63  }
0x111: {  	s29 =	simm.s32 $0x2880  }
0x112: {  	[tilespmem:s29], [sflag:$0x1] =	stream.indirect_vreg.gather [hbm4b:s5+s3], $0x80, v4, vm0, $0xb8;
	[tilespmem:$0x1E080] =	vst v63  }
0x113: {  	s30 =	simm.s32 $0x3080  }
0x114: {  	[tilespmem:s30], [sflag:$0x1] =	stream.indirect_vreg.gather [hbm4b:s1+s3], $0x80, v3, vm0, $0xb8;
	[tilespmem:$0x1E080] =	vst v63  }
0x115: {  	s31 =	simm.s32 $0x3880  }
0x116: {  	[tilespmem:s31], [sflag:$0x1] =	stream.indirect_vreg.gather [hbm4b:s5+s3], $0x80, v3, vm0, $0xb8;
	[tilespmem:$0x1E080] =	vst v63  }
0x117: {  	v3 =	vld [tilespmem:s26+$0x50];
	_ =	sdelay $0x4  }
0x118: {  	v58 =	vshll.u32 v3, $0x2  }
0x119: {  	v3 =	vand.u32 $0x7, v3;
	v4 =	vand.u32 $0xFFFFFFE0, v58  }
0x11a: {  	v3 =	vor.u32 v3, v4  }
0x11b: {  	v4 =	vperm.xlane v3, v0;
	_ =	sdelay $0x1  }
0x11c: {  	v4 =	vadd.s32 v1, v4;
	_ =	sdelay $0x1  }
0x11d: {  	v3 =	vperm.xlane v3, v2;
	_ =	sdelay $0x1  }
0x11e: {  	s15 =	simm.s32 $0x4080;
	v3 =	vadd.s32 v1, v3  }
0x11f: {  	[tilespmem:s15], [sflag:$0x1] =	stream.indirect_vreg.gather [hbm4b:s1+s3], $0x80, v4, vm0, $0xb8;
	[tilespmem:$0x1E080] =	vst v63  }
0x120: {  	s15 =	simm.s32 $0x4880  }
0x121: {  	[tilespmem:s15], [sflag:$0x1] =	stream.indirect_vreg.gather [hbm4b:s5+s3], $0x80, v4, vm0, $0xb8;
	[tilespmem:$0x1E080] =	vst v63  }
0x122: {  	s15 =	simm.s32 $0x5080  }
0x123: {  	[tilespmem:s15], [sflag:$0x1] =	stream.indirect_vreg.gather [hbm4b:s1+s3], $0x80, v3, vm0, $0xb8;
	[tilespmem:$0x1E080] =	vst v63  }
0x124: {  	s15 =	simm.s32 $0x5880  }
0x125: {  	[tilespmem:s15], [sflag:$0x1] =	stream.indirect_vreg.gather [hbm4b:s5+s3], $0x80, v3, vm0, $0xb8;
	[tilespmem:$0x1E080] =	vst v63  }
0x126: {  	v3 =	vld [tilespmem:s26+$0x60];
	_ =	sdelay $0x4  }
0x127: {  	v59 =	vshll.u32 v3, $0x2  }
0x128: {  	v3 =	vand.u32 $0x7, v3;
	v4 =	vand.u32 $0xFFFFFFE0, v59  }
0x129: {  	v3 =	vor.u32 v3, v4  }
0x12a: {  	v4 =	vperm.xlane v3, v0;
	_ =	sdelay $0x1  }
0x12b: {  	v4 =	vadd.s32 v1, v4;
	_ =	sdelay $0x1  }
0x12c: {  	v3 =	vperm.xlane v3, v2;
	_ =	sdelay $0x1  }
0x12d: {  	s15 =	simm.s32 $0x6080;
	v3 =	vadd.s32 v1, v3  }
0x12e: {  	[tilespmem:s15], [sflag:$0x1] =	stream.indirect_vreg.gather [hbm4b:s1+s3], $0x80, v4, vm0, $0xb8;
	[tilespmem:$0x1E080] =	vst v63  }
0x12f: {  	s15 =	simm.s32 $0x6880  }
0x130: {  	[tilespmem:s15], [sflag:$0x1] =	stream.indirect_vreg.gather [hbm4b:s5+s3], $0x80, v4, vm0, $0xb8;
	[tilespmem:$0x1E080] =	vst v63  }
0x131: {  	s15 =	simm.s32 $0x7080  }
0x132: {  	[tilespmem:s15], [sflag:$0x1] =	stream.indirect_vreg.gather [hbm4b:s1+s3], $0x80, v3, vm0, $0xb8;
	[tilespmem:$0x1E080] =	vst v63  }
0x133: {  	s15 =	simm.s32 $0x7880  }
0x134: {  	[tilespmem:s15], [sflag:$0x1] =	stream.indirect_vreg.gather [hbm4b:s5+s3], $0x80, v3, vm0, $0xb8;
	[tilespmem:$0x1E080] =	vst v63  }
0x135: {  	v3 =	vld [tilespmem:s26+$0x70];
	_ =	sdelay $0x4  }
0x136: {  	v60 =	vshll.u32 v3, $0x2  }
0x137: {  	v3 =	vand.u32 $0x7, v3;
	v4 =	vand.u32 $0xFFFFFFE0, v60  }
0x138: {  	v3 =	vor.u32 v3, v4  }
0x139: {  	v4 =	vperm.xlane v3, v0;
	_ =	sdelay $0x1  }
0x13a: {  	v4 =	vadd.s32 v1, v4;
	_ =	sdelay $0x1  }
0x13b: {  	v3 =	vperm.xlane v3, v2;
	_ =	sdelay $0x1  }
0x13c: {  	s15 =	simm.s32 $0x8080;
	v3 =	vadd.s32 v1, v3  }
0x13d: {  	[tilespmem:s15], [sflag:$0x1] =	stream.indirect_vreg.gather [hbm4b:s1+s3], $0x80, v4, vm0, $0xb8;
	[tilespmem:$0x1E080] =	vst v63  }
0x13e: {  	s15 =	simm.s32 $0x8880  }
0x13f: {  	[tilespmem:s15], [sflag:$0x1] =	stream.indirect_vreg.gather [hbm4b:s5+s3], $0x80, v4, vm0, $0xb8;
	[tilespmem:$0x1E080] =	vst v63  }
0x140: {  	_ = 	snop  }
0x141: {  	[tilespmem:s16], [sflag:$0x1] =	stream.indirect_vreg.gather [hbm4b:s1+s3], $0x80, v3, vm0, $0xb8;
	[tilespmem:$0x1E080] =	vst v63  }
0x142: {  	_ = 	snop  }
0x143: {  	[tilespmem:s17], [sflag:$0x1] =	stream.indirect_vreg.gather [hbm4b:s5+s3], $0x80, v3, vm0, $0xb8;
	[tilespmem:$0x1E080] =	vst v63  }
0x144: {  	v3 =	vld [tilespmem:s26+$0x80];
	_ =	sdelay $0x4  }
0x145: {  	v61 =	vshll.u32 v3, $0x2  }
0x146: {  	v3 =	vand.u32 $0x7, v3;
	v4 =	vand.u32 $0xFFFFFFE0, v61  }
0x147: {  	v3 =	vor.u32 v3, v4  }
0x148: {  	v4 =	vperm.xlane v3, v0;
	_ =	sdelay $0x1  }
0x149: {  	v4 =	vadd.s32 v1, v4;
	_ =	sdelay $0x1  }
0x14a: {  	v3 =	vperm.xlane v3, v2;
	_ =	sdelay $0x1  }
0x14b: {  	v3 =	vadd.s32 v1, v3  }
0x14c: {  	[tilespmem:s18], [sflag:$0x1] =	stream.indirect_vreg.gather [hbm4b:s1+s3], $0x80, v4, vm0, $0xb8;
	[tilespmem:$0x1E080] =	vst v63  }
0x14d: {  	_ = 	snop  }
0x14e: {  	[tilespmem:s19], [sflag:$0x1] =	stream.indirect_vreg.gather [hbm4b:s5+s3], $0x80, v4, vm0, $0xb8;
	[tilespmem:$0x1E080] =	vst v63  }
0x14f: {  	_ = 	snop  }
0x150: {  	[tilespmem:s20], [sflag:$0x1] =	stream.indirect_vreg.gather [hbm4b:s1+s3], $0x80, v3, vm0, $0xb8;
	[tilespmem:$0x1E080] =	vst v63  }
0x151: {  	_ = 	snop  }
0x152: {  	[tilespmem:s21], [sflag:$0x1] =	stream.indirect_vreg.gather [hbm4b:s5+s3], $0x80, v3, vm0, $0xb8;
	[tilespmem:$0x1E080] =	vst v63  }
0x153: {  	v3 =	vld [tilespmem:s26+$0x90];
	_ =	sdelay $0x4  }
0x154: {  	v62 =	vshll.u32 v3, $0x2  }
0x155: {  	v3 =	vand.u32 $0x7, v3;
	v4 =	vand.u32 $0xFFFFFFE0, v62  }
0x156: {  	v3 =	vor.u32 v3, v4  }
0x157: {  	v4 =	vperm.xlane v3, v0;
	_ =	sdelay $0x1  }
0x158: {  	v4 =	vadd.s32 v1, v4;
	_ =	sdelay $0x1  }
0x159: {  	v3 =	vperm.xlane v3, v2;
	_ =	sdelay $0x1  }
0x15a: {  	v3 =	vadd.s32 v1, v3  }
0x15b: {  	[tilespmem:s22], [sflag:$0x1] =	stream.indirect_vreg.gather [hbm4b:s1+s3], $0x80, v4, vm0, $0xb8;
	[tilespmem:$0x1E080] =	vst v63  }
0x15c: {  	_ = 	snop  }
0x15d: {  	[tilespmem:s23], [sflag:$0x1] =	stream.indirect_vreg.gather [hbm4b:s5+s3], $0x80, v4, vm0, $0xb8;
	[tilespmem:$0x1E080] =	vst v63  }
0x15e: {  	_ = 	snop  }
0x15f: {  	[tilespmem:s2], [sflag:$0x1] =	stream.indirect_vreg.gather [hbm4b:s1+s3], $0x80, v3, vm0, $0xb8;
	[tilespmem:$0x1E080] =	vst v63  }
0x160: {  	_ = 	snop  }
0x161: {  	[tilespmem:s0], [sflag:$0x1] =	stream.indirect_vreg.gather [hbm4b:s5+s3], $0x80, v3, vm0, $0xb8;
	[tilespmem:$0x1E080] =	vst v63  }
0x162: {  	v3 =	vld [tilespmem:s26+$0xA0];
	_ =	sdelay $0x4  }
0x163: {  	v63 =	vshll.u32 v3, $0x2  }
0x164: {  	v3 =	vand.u32 $0x7, v3;
	v4 =	vand.u32 $0xFFFFFFE0, v63  }
0x165: {  	v3 =	vor.u32 v3, v4  }
0x166: {  	v4 =	vperm.xlane v3, v0;
	_ =	sdelay $0x1  }
0x167: {  	v4 =	vadd.s32 v1, v4;
	_ =	sdelay $0x2  }
0x168: {  	v3 =	vperm.xlane v3, v2  }
0x169: {  	s28 =	sadd.s32 $0x3800, s28  }
0x16a: {  	v3 =	vadd.s32 v1, v3;
	[tilespmem:s4], [sflag:$0x1] =	stream.indirect_vreg.gather [hbm4b:s1+s3], $0x80, v4, vm0, $0xb8;
	[tilespmem:$0x1E080] =	vst v63  }
0x16b: {  	p0 =	sne.s32 s28, $0x7E000  }
0x16c: {  	[tilespmem:s6], [sflag:$0x1] =	stream.indirect_vreg.gather [hbm4b:s5+s3], $0x80, v4, vm0, $0xb8;
	[tilespmem:$0x1E080] =	vst v63  }
.Ltmp0:
0x16d: {  	_ = 	snop;
	(pc) =	sbr.rel @p0 .LBB2_2-.Ltmp0, $4  }
0x16e: {  	_ = 	snop  }
0x16f: {  	[tilespmem:s7], [sflag:$0x1] =	stream.indirect_vreg.gather [hbm4b:s1+s3], $0x80, v3, vm0, $0xb8;
	[tilespmem:$0x1E080] =	vst v63  }
0x170: {  	s26 =	sadd.s32 $0xE0, s26  }
0x171: {  	[tilespmem:s8], [sflag:$0x1] =	stream.indirect_vreg.gather [hbm4b:s5+s3], $0x80, v3, vm0, $0xb8;
	[tilespmem:$0x1E080] =	vst v63  }
0x172: {  	_ =	swait.ge [sflag:s11], $0xE000  }
0x173: {  	[sflag:s11] =	ssyncset.done $0x0  }
0x174: {  	s0 =	simm.s32 $0x4;
	s26 =	rddreg [dreg:$0x16];
	[sflag:s11] =	ssyncadd.s32 $0xFFFF2000  }
0x175: {  	[hbm4b:s26+s3] =	stream.linear.scatter [tilespmem:s10], [sflag:$0x3], $0xE000, $0x38;
	[tilespmem:$0x1E080] =	vst v63  }
0x176: {  	_ =	swait.ge [sflag:s0], $0xE000  }
0x177: {  	[sflag:s0] =	ssyncset.done $0x0  }
0x178: {  	[sflag:s0] =	ssyncadd.s32 $0xFFFF2000  }
0x179: {  	v3 =	vld [tilespmem:$0x1FF0];
	_ =	sdelay $0x4  }
0x17a: {  	v4 =	vshll.u32 v3, $0x2  }
0x17b: {  	v3 =	vand.u32 $0x7, v3;
	v4 =	vand.u32 $0xFFFFFFE0, v4  }
0x17c: {  	v3 =	vor.u32 v3, v4  }
0x17d: {  	v4 =	vperm.xlane v3, v0;
	_ =	sdelay $0x1  }
0x17e: {  	v4 =	vadd.s32 v1, v4;
	_ =	sdelay $0x1  }
0x17f: {  	v3 =	vperm.xlane v3, v2;
	_ =	sdelay $0x1  }
0x180: {  	v3 =	vadd.s32 v1, v3  }
0x181: {  	[tilespmem:s12], [sflag:$0x2] =	stream.indirect_vreg.gather [hbm4b:s1+s3], $0x80, v4, vm0, $0xb8;
	[tilespmem:$0x1E080] =	vst v63  }
0x182: {  	_ = 	snop  }
0x183: {  	[tilespmem:s9], [sflag:$0x2] =	stream.indirect_vreg.gather [hbm4b:s5+s3], $0x80, v4, vm0, $0xb8;
	[tilespmem:$0x1E080] =	vst v63  }
0x184: {  	_ = 	snop  }
0x185: {  	[tilespmem:s13], [sflag:$0x2] =	stream.indirect_vreg.gather [hbm4b:s1+s3], $0x80, v3, vm0, $0xb8;
	[tilespmem:$0x1E080] =	vst v63  }
0x186: {  	_ = 	snop  }
0x187: {  	[tilespmem:s14], [sflag:$0x2] =	stream.indirect_vreg.gather [hbm4b:s5+s3], $0x80, v3, vm0, $0xb8;
	[tilespmem:$0x1E080] =	vst v63  }
0x188: {  	v3 =	vld [tilespmem:$0x2000];
	_ =	sdelay $0x4  }
0x189: {  	v62 =	vshll.u32 v3, $0x2  }
0x18a: {  	v3 =	vand.u32 $0x7, v3;
	v4 =	vand.u32 $0xFFFFFFE0, v62  }
0x18b: {  	v3 =	vor.u32 v3, v4  }
0x18c: {  	v4 =	vperm.xlane v3, v0;
	_ =	sdelay $0x1  }
0x18d: {  	v4 =	vadd.s32 v1, v4;
	_ =	sdelay $0x1  }
0x18e: {  	v3 =	vperm.xlane v3, v2;
	_ =	sdelay $0x1  }
0x18f: {  	s15 =	simm.s32 $0x12080;
	v3 =	vadd.s32 v1, v3  }
0x190: {  	[tilespmem:s15], [sflag:$0x2] =	stream.indirect_vreg.gather [hbm4b:s1+s3], $0x80, v4, vm0, $0xb8;
	[tilespmem:$0x1E080] =	vst v63  }
0x191: {  	s26 =	simm.s32 $0x12880  }
0x192: {  	[tilespmem:s26], [sflag:$0x2] =	stream.indirect_vreg.gather [hbm4b:s5+s3], $0x80, v4, vm0, $0xb8;
	[tilespmem:$0x1E080] =	vst v63  }
0x193: {  	s15 =	simm.s32 $0x13080  }
0x194: {  	[tilespmem:s15], [sflag:$0x2] =	stream.indirect_vreg.gather [hbm4b:s1+s3], $0x80, v3, vm0, $0xb8;
	[tilespmem:$0x1E080] =	vst v63  }
0x195: {  	s26 =	simm.s32 $0x13880  }
0x196: {  	[tilespmem:s26], [sflag:$0x2] =	stream.indirect_vreg.gather [hbm4b:s5+s3], $0x80, v3, vm0, $0xb8;
	[tilespmem:$0x1E080] =	vst v63  }
0x197: {  	v3 =	vld [tilespmem:$0x2010];
	_ =	sdelay $0x4  }
0x198: {  	v63 =	vshll.u32 v3, $0x2  }
0x199: {  	v3 =	vand.u32 $0x7, v3;
	v4 =	vand.u32 $0xFFFFFFE0, v63  }
0x19a: {  	v3 =	vor.u32 v3, v4  }
0x19b: {  	v4 =	vperm.xlane v3, v0;
	_ =	sdelay $0x1  }
0x19c: {  	v4 =	vadd.s32 v1, v4;
	_ =	sdelay $0x1  }
0x19d: {  	v3 =	vperm.xlane v3, v2;
	_ =	sdelay $0x1  }
0x19e: {  	s15 =	simm.s32 $0x14080;
	v3 =	vadd.s32 v1, v3  }
0x19f: {  	[tilespmem:s15], [sflag:$0x2] =	stream.indirect_vreg.gather [hbm4b:s1+s3], $0x80, v4, vm0, $0xb8;
	[tilespmem:$0x1E080] =	vst v63  }
0x1a0: {  	s26 =	simm.s32 $0x14880  }
0x1a1: {  	[tilespmem:s26], [sflag:$0x2] =	stream.indirect_vreg.gather [hbm4b:s5+s3], $0x80, v4, vm0, $0xb8;
	[tilespmem:$0x1E080] =	vst v63  }
0x1a2: {  	s15 =	simm.s32 $0x15080  }
0x1a3: {  	[tilespmem:s15], [sflag:$0x2] =	stream.indirect_vreg.gather [hbm4b:s1+s3], $0x80, v3, vm0, $0xb8;
	[tilespmem:$0x1E080] =	vst v63  }
0x1a4: {  	s26 =	simm.s32 $0x15880  }
0x1a5: {  	[tilespmem:s26], [sflag:$0x2] =	stream.indirect_vreg.gather [hbm4b:s5+s3], $0x80, v3, vm0, $0xb8;
	[tilespmem:$0x1E080] =	vst v63  }
0x1a6: {  	_ =	swait.ge [sflag:s25], $0xE000  }
0x1a7: {  	[sflag:s25] =	ssyncset.done $0x0  }
0x1a8: {  	[sflag:s25] =	ssyncadd.s32 $0xFFFF2000  }
0x1a9: {  	_ =	swait.ge [sflag:s24], $0x6000  }
0x1aa: {  	[sflag:s24] =	ssyncset.done $0x0  }
0x1ab: {  	s28 =	simm.s32 $0x5;
	s15 =	rddreg [dreg:$0x17];
	[sflag:s24] =	ssyncadd.s32 $0xFFFFA000  }
0x1ac: {  	[hbm4b:s15+s3] =	stream.linear.scatter [tilespmem:s12], [sflag:$0x5], $0x6000, $0x38;
	[tilespmem:$0x1E080] =	vst v63  }
0x1ad: {  	_ =	swait.ge [sflag:s28], $0x6000  }
0x1ae: {  	s26 =	rddreg [dreg:$0x19]  }
0x1af: {  	s15 =	rddreg [dreg:$0x18];
	s0 =	sadd.s32 $0x1, s26  }
0x1b0: {  	p0 =	sne.s32 s0, s15  }
.Ltmp1:
0x1b1: {  	_ = 	snop;
	(pc) =	sbr.rel @p0 .LBB2_1-.Ltmp1, $3  }
0x1b2: {  	_ =	sdelay $0x1  }
0x1b3: {  	[sflag:s28] =	ssyncset.done $0x0  }
0x1b4: {  	[sflag:s28] =	ssyncadd.s32 $0xFFFFA000  }
0x1b5: {  	_ =	sfence.sel $0x180000  }
0x1b6: {  	[bflag:$0x0] =	sbarrier.arrive $0xFFFF  }
0x1b7: {  	_ =	strace $0x90000047  }
0x1b8: {  	s0 =	stileid.u32;
	[bflag:$0x2] =	sbarrier.arrive $0xFFFF  }
0x1b9: {  	p0 =	sne.s32 s0, $0x0;
	s0 =	rddreg [dreg:$0x3]  }
0x1ba: {  	s0 =	sadd.s32 @!p0 $0x100000, s0  }
0x1bb: {  	[sflag:s0] =	ssyncadd.tile.s32 @!p0 $0x1;
	_ =	shalt  }
.Lfunc_end2:
_tile_overlayer_lowered:
.L_overlay_start_2:
0x1bc: {  	(tag) =	ssettag $0x2  }
0x1bd: {  	s0 =	rddreg [dreg:$0x0];
	s2 =	stileid.u32  }
0x1be: {  	s1 =	rddreg [dreg:$0x1];
	p0 =	sne.s32 s2, $0x0  }
0x1bf: {  	s3 =	rddreg [dreg:$0x2];
	[bflag:$0x3] =	sbarrier.arrive $0xFFFF;
	s2 =	simm.s32 @!p0 $0x1C05  }
0x1c0: {  	[timem:s3], [sflag:s2] =	dma.local @!p0 [hbm:s0], s1  }
0x1c1: {  	s0 =	simm.s32 @!p0 $0x5  }
0x1c2: {  	_ =	swait.ge @!p0 [sflag:s0], s1  }
0x1c3: {  	s1 =	ssub.s32 @!p0 $0x0, s1;
	[sflag:s0] =	ssyncset.done @!p0 $0x0  }
0x1c4: {  	[sflag:s0] =	ssyncadd.s32 @!p0 s1  }
0x1c5: {  	[bflag:$0x3] =	sbarrier.arrive $0xFFFF  }
0x1c6: {  	_ =	shalt  }

</sc_bundles>
